<compile_context>
chip_gen: v7x
topology: tpu7x:2x2x1
jax: 0.10.2.dev20260603
libtpu: 0.0.44.dev20260713+nightly
codegen_flags: <defaults>
</compile_context>

<pallas_src>
import functools

import jax
import jax.numpy as jnp
from jax import lax
from jax.experimental import pallas as pl
from jax.experimental.pallas import tpu as pltpu
from jax.experimental.pallas import tpu_sc as plsc

L = 512
IN = 300
MEM = 150
HID = 50
NCLS = 5
GW = 256


def _sc_gather(emb, idx):
    info = plsc.get_sparse_core_info()
    nc, ns = info.num_cores, info.num_subcores
    nw = nc * ns
    b = idx.shape[0]
    b_per_w = b // nw
    mesh = plsc.VectorSubcoreMesh(core_axis_name="c", subcore_axis_name="s")

    @functools.partial(
        pl.kernel,
        mesh=mesh,
        out_type=jax.ShapeDtypeStruct((b, IN), jnp.float32),
        scratch_types=[
            pltpu.VMEM((b_per_w,), jnp.int32),
            pltpu.VMEM((b_per_w, IN), jnp.float32),
            pltpu.SemaphoreType.DMA,
        ],
    )
    def gather_kernel(table_hbm, idx_hbm, out_hbm, idx_v, rows_v, sem):
        wid = lax.axis_index("s") * nc + lax.axis_index("c")
        base = wid * b_per_w
        pltpu.sync_copy(idx_hbm.at[pl.ds(base, b_per_w)], idx_v)
        copies = []
        for ch in range(b_per_w // 16):
            vals = idx_v[pl.ds(ch * 16, 16)]
            for k in range(16):
                i = ch * 16 + k
                row = vals[k]
                cp = pltpu.make_async_copy(
                    table_hbm.at[pl.ds(row, 1)], rows_v.at[pl.ds(i, 1)], sem)
                cp.start()
                copies.append(cp)
        for cp in copies:
            cp.wait()
        pltpu.sync_copy(rows_v, out_hbm.at[pl.ds(base, b_per_w)])

    return gather_kernel(emb, idx)


def _tc_body(x_ref, wx_ref, bx_ref, wh_ref, wa1_ref, wa2_ref, ba_ref,
             ww1_ref, ww2_ref, bwh_ref, wwp_ref, bwp_ref, out_ref,
             xw_ref, h_ref):
    xw_ref[...] = (jnp.dot(x_ref[...], wx_ref[...],
                           preferred_element_type=jnp.float32) + bx_ref[...])
    nb = L // 4

    def step(j, carry):
        c, h = carry
        jb = nb - 1 - j
        base = pl.multiple_of(8 * jb, 8)
        for k in range(3, -1, -1):
            g2 = jnp.concatenate([
                xw_ref[pl.ds(base + 2 * k, 1), :],
                xw_ref[pl.ds(base + 2 * k + 1, 1), :],
            ], axis=0)
            g = g2 + jnp.dot(h[:, 0:152].astype(jnp.bfloat16), wh_ref[...],
                             preferred_element_type=jnp.float32)
            gi = jax.nn.sigmoid(g[:, 0:GW])
            go = jax.nn.sigmoid(g[:, GW:2 * GW])
            gu = jnp.tanh(g[:, 2 * GW:3 * GW])
            gf = jax.nn.sigmoid(g[:, 3 * GW:4 * GW])
            c = gi * gu + gf * c
            h = go * jnp.tanh(c)
            h_ref[pl.ds(4 * jb + k, 1), :, :] = h[None]
        return c, h

    z = jnp.zeros((2, GW), jnp.float32)
    _, h_fin = lax.fori_loop(0, nb, step, (z, z))

    hl0 = h_fin[0:1, :]
    hr0 = h_fin[1:2, :]
    h3 = h_ref[...]

    s1 = jnp.sum(h3 * hl0[None], axis=2, keepdims=True)
    s2 = jnp.sum(h3 * hr0[None], axis=2, keepdims=True)
    bid = lax.broadcasted_iota(jnp.int32, (L, 2, 1), 1)
    is_r = bid == 1

    def msoftmax(s, mask):
        m = jnp.max(jnp.max(jnp.where(mask, s, -jnp.inf), axis=0,
                            keepdims=True), axis=1, keepdims=True)
        e = jnp.where(mask, jnp.exp(s - m), 0.0)
        d = jnp.sum(jnp.sum(e, axis=0, keepdims=True), axis=1,
                    keepdims=True)
        return e / d

    w_l = msoftmax(s1, is_r)
    w_r = msoftmax(s2, jnp.logical_not(is_r))
    beta0 = jnp.sum(jnp.sum(w_l * h3, axis=0), axis=0, keepdims=True)
    alpha0 = jnp.sum(jnp.sum(w_r * h3, axis=0), axis=0, keepdims=True)

    v_l = (jnp.dot(hl0, wa1_ref[...], preferred_element_type=jnp.float32)
           + jnp.dot(beta0, wa2_ref[...], preferred_element_type=jnp.float32)
           + ba_ref[...])
    v_r = (jnp.dot(hr0, wa1_ref[...], preferred_element_type=jnp.float32)
           + jnp.dot(alpha0, wa2_ref[...], preferred_element_type=jnp.float32)
           + ba_ref[...])

    mult = v_l * v_r
    absd = jnp.abs(v_l - v_r)
    hid = jax.nn.sigmoid(
        jnp.dot(mult, ww1_ref[...], preferred_element_type=jnp.float32)
        + jnp.dot(absd, ww2_ref[...], preferred_element_type=jnp.float32)
        + bwh_ref[...])
    logits = jnp.dot(hid, wwp_ref[...],
                     preferred_element_type=jnp.float32) + bwp_ref[...]
    m = jnp.max(logits, axis=1, keepdims=True)
    e = logits - m
    out_ref[...] = e - jnp.log(jnp.sum(jnp.exp(e), axis=1, keepdims=True))


def _pad_lanes(w, width=GW):
    return jnp.pad(w, ((0, 0), (0, width - w.shape[1])))


def kernel(linputs, rinputs, emb, W_ioux, b_ioux, W_iouh, b_iouh, W_fx, b_fx,
           W_fh, b_fh, W_attn, b_attn, W_wh, b_wh, W_wp, b_wp):
    idx = jnp.stack([linputs, rinputs], axis=1).reshape(-1).astype(jnp.int32)
    x = _sc_gather(emb, idx)

    wx = jnp.concatenate([
        _pad_lanes(W_ioux[:, 0:MEM]),
        _pad_lanes(W_ioux[:, MEM:2 * MEM]),
        _pad_lanes(W_ioux[:, 2 * MEM:3 * MEM]),
        _pad_lanes(W_fx),
    ], axis=1)
    bxv = jnp.concatenate([
        jnp.pad(b_ioux[0:MEM] + b_iouh[0:MEM], (0, GW - MEM)),
        jnp.pad(b_ioux[MEM:2 * MEM] + b_iouh[MEM:2 * MEM], (0, GW - MEM)),
        jnp.pad(b_ioux[2 * MEM:3 * MEM] + b_iouh[2 * MEM:3 * MEM],
                (0, GW - MEM)),
        jnp.pad(b_fx + b_fh, (0, GW - MEM)),
    ])[None, :]
    wh = jnp.concatenate([
        _pad_lanes(W_iouh[:, 0:MEM]),
        _pad_lanes(W_iouh[:, MEM:2 * MEM]),
        _pad_lanes(W_iouh[:, 2 * MEM:3 * MEM]),
        _pad_lanes(W_fh),
    ], axis=1)
    wh = jnp.pad(wh, ((0, 2), (0, 0))).astype(jnp.bfloat16)

    wa1 = jnp.pad(W_attn[:MEM], ((0, GW - MEM), (0, 0)))
    wa2 = jnp.pad(W_attn[MEM:], ((0, GW - MEM), (0, 0)))
    ba = b_attn[None, :]
    ww1 = W_wh[:MEM]
    ww2 = W_wh[MEM:]
    bwh = b_wh[None, :]
    bwp = b_wp[None, :]

    out = pl.pallas_call(
        _tc_body,
        out_shape=jax.ShapeDtypeStruct((1, NCLS), jnp.float32),
        scratch_shapes=[
            pltpu.VMEM((2 * L, 4 * GW), jnp.float32),
            pltpu.VMEM((L, 2, GW), jnp.float32),
        ],
    )(x, wx, bxv, wh, wa1, wa2, ba, ww1, ww2, bwh, W_wp, bwp)
    return out

# --- scband reference (transcript-rebuilt; emitter-appended) ---
"""Pipeline reference for scband-similarity-tree-lstm-18915035972203 (READ-ONLY COPY).

The authoritative reference and input builder live on the scoring server;
editing this copy changes nothing except your own understanding.
"""

import jax, jax.numpy as jnp
import numpy as np

V = 100000
IN = 300
MEM = 150
HID = 50
NCLS = 5
L = 512


def _linear_params(k, fan_in, fan_out):
    k1, k2 = jax.random.split(k)
    bound = 1.0 / np.sqrt(fan_in)
    W = jax.random.uniform(k1, (fan_in, fan_out), minval=-bound, maxval=bound, dtype=jnp.float32)
    b = jax.random.uniform(k2, (fan_out,), minval=-bound, maxval=bound, dtype=jnp.float32)
    return W, b


def setup_inputs(seed: int = 0) -> dict:
    key = jax.random.key(seed)
    ks = jax.random.split(key, 12)
    inp = {}
    inp['linputs'] = jax.random.randint(ks[0], (L,), 0, V)
    inp['rinputs'] = jax.random.randint(ks[1], (L,), 0, V)
    emb = jax.random.normal(ks[2], (V, IN), dtype=jnp.float32) * 0.05
    inp['emb'] = emb.at[0].set(0.0)  # padding_idx = 0 (Constants.PAD)
    inp['W_ioux'], inp['b_ioux'] = _linear_params(ks[3], IN, 3 * MEM)
    inp['W_iouh'], inp['b_iouh'] = _linear_params(ks[4], MEM, 3 * MEM)
    inp['W_fx'], inp['b_fx'] = _linear_params(ks[5], IN, MEM)
    inp['W_fh'], inp['b_fh'] = _linear_params(ks[6], MEM, MEM)
    inp['W_attn'], inp['b_attn'] = _linear_params(ks[7], 2 * MEM, MEM)
    inp['W_wh'], inp['b_wh'] = _linear_params(ks[8], 2 * MEM, HID)
    inp['W_wp'], inp['b_wp'] = _linear_params(ks[9], HID, NCLS)
    return inp


def _childsum_treelstm_chain(x, W_ioux, b_ioux, W_iouh, b_iouh, W_fx, b_fx, W_fh, b_fh):
    # Right-chain tree: node i's only child is node i+1; node L-1 is a leaf.
    # ChildSumTreeLSTM.node_forward with exactly one child per node, evaluated
    # leaf-to-root, i.e. a reverse sequential scan.
    def step(carry, xt):
        child_c, child_h = carry
        iou = xt @ W_ioux + b_ioux + child_h @ W_iouh + b_iouh
        i, o, u = jnp.split(iou, 3)
        i = jax.nn.sigmoid(i)
        o = jax.nn.sigmoid(o)
        u = jnp.tanh(u)
        f = jax.nn.sigmoid(child_h @ W_fh + b_fh + xt @ W_fx + b_fx)
        fc = f * child_c
        c = i * u + fc
        h = o * jnp.tanh(c)
        return (c, h), h

    init = (jnp.zeros((MEM,), x.dtype), jnp.zeros((MEM,), x.dtype))
    _, hs = jax.lax.scan(step, init, x[::-1])
    return hs[::-1]  # hs[i] = hidden state of node i; root is node 0


def reference(linputs, rinputs, emb, W_ioux, b_ioux, W_iouh, b_iouh, W_fx, b_fx,
              W_fh, b_fh, W_attn, b_attn, W_wh, b_wh, W_wp, b_wp):
    lx = jnp.take(emb, linputs, axis=0)
    rx = jnp.take(emb, rinputs, axis=0)
    Hl = _childsum_treelstm_chain(lx, W_ioux, b_ioux, W_iouh, b_iouh, W_fx, b_fx, W_fh, b_fh)
    Hr = _childsum_treelstm_chain(rx, W_ioux, b_ioux, W_iouh, b_iouh, W_fx, b_fx, W_fh, b_fh)
    scores = Hl @ Hr.T  # [Ll, Lr]
    nrm_r = jax.nn.softmax(scores, axis=1).T        # torch.t(softmax(scores))
    nrm_l = jax.nn.softmax(scores.T, axis=1).T      # torch.t(softmax(torch.t(scores)))
    # beta_sum[j] = sum_i Hr[i] * nrm_r[i, j]  (== sum over dim 0 of the broadcast product)
    beta_sum = nrm_r.T @ Hr   # [Ll, MEM]
    alpha_sum = nrm_l.T @ Hl  # [Lr, MEM]
    v_l = jnp.concatenate([Hl, beta_sum], axis=1) @ W_attn + b_attn
    v_r = jnp.concatenate([Hr, alpha_sum], axis=1) @ W_attn + b_attn
    lhidden = v_l[0:1]  # root idx = 0
    rhidden = v_r[0:1]
    mult_dist = lhidden * rhidden
    abs_dist = jnp.abs(lhidden - rhidden)
    vec_dist = jnp.concatenate([mult_dist, abs_dist], axis=1)
    out = jax.nn.sigmoid(vec_dist @ W_wh + b_wh)
    out = jax.nn.log_softmax(out @ W_wp + b_wp, axis=-1)
    return out

if __name__ == "__main__":
    import jax
    _d = setup_inputs()
    print(jax.jit(kernel)(*tuple(_d.values())))

</pallas_src>

<mosaic_0001>
#map = affine_map<(d0, d1) -> (0, 0)>
#map1 = affine_map<(d0, d1) -> (0)>
module attributes {stable_mosaic.version = 14 : i64} {
  func.func @gather_kernel(%arg0: i32, %arg1: i32, %arg2: memref<100000x300xf32, #tpu.memory_space<hbm>>, %arg3: memref<1024xi32, #tpu.memory_space<hbm>>, %arg4: memref<1024x300xf32, #tpu.memory_space<hbm>>, %arg5: memref<32xi32, #tpu.memory_space<vmem>>, %arg6: memref<32x300xf32, #tpu.memory_space<vmem>>, %arg7: memref<!tpu.dma_semaphore, #tpu.memory_space<semaphore_mem>>) attributes {dimension_semantics = [#tpu.dimension_semantics<core_parallel>, #tpu.dimension_semantics<subcore_parallel>], iteration_bounds = array<i64: 2, 16>, scalar_prefetch = 0 : i64, scratch_operands = 3 : i64, tpu.core_type = #tpu.core_type<sc_vector_subcore>, window_params = [{transform_indices = #map}, {transform_indices = #map1}, {transform_indices = #map}]} {
    %mul3A = arith.constant 2 : i32
    %mul3A_0 = arith.muli %arg1, %mul3A : i32
    %add3A = arith.addi %mul3A_0, %arg0 : i32
    %mul3A_1 = arith.constant 32 : i32
    %mul3A_2 = arith.muli %add3A, %mul3A_1 : i32
    "tpu.region"() ({
      %run_scoped3A = tpu.sem_alloc : memref<!tpu.dma_semaphore, #tpu.memory_space<semaphore_mem>>
      %dma_start3A_708 = tpu.memref_slice %arg3[%mul3A_2] : memref<1024xi32, #tpu.memory_space<hbm>> -> memref<32xi32, #tpu.memory_space<hbm>>
      %dma_start3A_709 = tpu.memref_slice %arg3[%mul3A_2] : memref<1024xi32, #tpu.memory_space<hbm>> -> memref<32xi32, #tpu.memory_space<hbm>>
      tpu.enqueue_dma source(%dma_start3A_709 : memref<32xi32, #tpu.memory_space<hbm>>) target(%arg5 : memref<32xi32, #tpu.memory_space<vmem>>) target_semaphore(%run_scoped3A : memref<!tpu.dma_semaphore, #tpu.memory_space<semaphore_mem>>)
      %dma_wait3A_710 = tpu.memref_slice %arg3[%mul3A_2] : memref<1024xi32, #tpu.memory_space<hbm>> -> memref<32xi32, #tpu.memory_space<hbm>>
      %dma_wait3A_711 = tpu.memref_slice %arg3[%mul3A_2] : memref<1024xi32, #tpu.memory_space<hbm>> -> memref<32xi32, #tpu.memory_space<hbm>>
      tpu.wait_dma2 semaphore(%run_scoped3A : memref<!tpu.dma_semaphore, #tpu.memory_space<semaphore_mem>>) src(%dma_wait3A_711 : memref<32xi32, #tpu.memory_space<hbm>>) dst(%arg5 : memref<32xi32, #tpu.memory_space<vmem>>)
      tpu.yield
    }) : () -> ()
    %get3A = arith.constant 0 : index
    %get3A_3 = tpu.vector_load %arg5[%get3A] {strides = array<i32>} : memref<32xi32, #tpu.memory_space<vmem>>, vector<16xi32>,
    %get3A_4 = vector.shape_cast %get3A_3 : vector<16xi32> to vector<16xi32>
    %slice3A = vector.extract_strided_slice %get3A_4 {offsets = [0], sizes = [1], strides = [1]} : vector<16xi32> to vector<1xi32>
    %squeeze3A = vector.extract %slice3A[0] : i32 from vector<1xi32>
    %dma_start3A = arith.constant 0 : i32
    %dma_start3A_5 = arith.constant 0 : i32
    %dma_start3A_6 = tpu.memref_slice %arg6[%dma_start3A, %dma_start3A_5] : memref<32x300xf32, #tpu.memory_space<vmem>> -> memref<1x300xf32, #tpu.memory_space<vmem>>
    %dma_start3A_7 = arith.constant 0 : i32
    %dma_start3A_8 = tpu.memref_slice %arg2[%squeeze3A, %dma_start3A_7] : memref<100000x300xf32, #tpu.memory_space<hbm>> -> memref<1x300xf32, #tpu.memory_space<hbm>>
    %dma_start3A_9 = arith.constant 0 : i32
    %dma_start3A_10 = arith.constant 0 : i32
    %dma_start3A_11 = tpu.memref_slice %arg6[%dma_start3A_9, %dma_start3A_10] : memref<32x300xf32, #tpu.memory_space<vmem>> -> memref<1x300xf32, #tpu.memory_space<vmem>>
    %dma_start3A_12 = arith.constant 0 : i32
    %dma_start3A_13 = tpu.memref_slice %arg2[%squeeze3A, %dma_start3A_12] : memref<100000x300xf32, #tpu.memory_space<hbm>> -> memref<1x300xf32, #tpu.memory_space<hbm>>
    tpu.enqueue_dma source(%dma_start3A_13 : memref<1x300xf32, #tpu.memory_space<hbm>>) target(%dma_start3A_11 : memref<1x300xf32, #tpu.memory_space<vmem>>) target_semaphore(%arg7 : memref<!tpu.dma_semaphore, #tpu.memory_space<semaphore_mem>>)
    %slice3A_14 = vector.extract_strided_slice %get3A_4 {offsets = [1], sizes = [1], strides = [1]} : vector<16xi32> to vector<1xi32>
    %squeeze3A_15 = vector.extract %slice3A_14[0] : i32 from vector<1xi32>
    %dma_start3A_16 = arith.constant 1 : i32
    %dma_start3A_17 = arith.constant 0 : i32
    %dma_start3A_18 = tpu.memref_slice %arg6[%dma_start3A_16, %dma_start3A_17] : memref<32x300xf32, #tpu.memory_space<vmem>> -> memref<1x300xf32, #tpu.memory_space<vmem>>
    %dma_start3A_19 = arith.constant 0 : i32
    %dma_start3A_20 = tpu.memref_slice %arg2[%squeeze3A_15, %dma_start3A_19] : memref<100000x300xf32, #tpu.memory_space<hbm>> -> memref<1x300xf32, #tpu.memory_space<hbm>>
    %dma_start3A_21 = arith.constant 1 : i32
    %dma_start3A_22 = arith.constant 0 : i32
    %dma_start3A_23 = tpu.memref_slice %arg6[%dma_start3A_21, %dma_start3A_22] : memref<32x300xf32, #tpu.memory_space<vmem>> -> memref<1x300xf32, #tpu.memory_space<vmem>>
    %dma_start3A_24 = arith.constant 0 : i32
    %dma_start3A_25 = tpu.memref_slice %arg2[%squeeze3A_15, %dma_start3A_24] : memref<100000x300xf32, #tpu.memory_space<hbm>> -> memref<1x300xf32, #tpu.memory_space<hbm>>
    tpu.enqueue_dma source(%dma_start3A_25 : memref<1x300xf32, #tpu.memory_space<hbm>>) target(%dma_start3A_23 : memref<1x300xf32, #tpu.memory_space<vmem>>) target_semaphore(%arg7 : memref<!tpu.dma_semaphore, #tpu.memory_space<semaphore_mem>>)
    %slice3A_26 = vector.extract_strided_slice %get3A_4 {offsets = [2], sizes = [1], strides = [1]} : vector<16xi32> to vector<1xi32>
    %squeeze3A_27 = vector.extract %slice3A_26[0] : i32 from vector<1xi32>
    %dma_start3A_28 = arith.constant 2 : i32
    %dma_start3A_29 = arith.constant 0 : i32
    %dma_start3A_30 = tpu.memref_slice %arg6[%dma_start3A_28, %dma_start3A_29] : memref<32x300xf32, #tpu.memory_space<vmem>> -> memref<1x300xf32, #tpu.memory_space<vmem>>
    %dma_start3A_31 = arith.constant 0 : i32
    %dma_start3A_32 = tpu.memref_slice %arg2[%squeeze3A_27, %dma_start3A_31] : memref<100000x300xf32, #tpu.memory_space<hbm>> -> memref<1x300xf32, #tpu.memory_space<hbm>>
    %dma_start3A_33 = arith.constant 2 : i32
    %dma_start3A_34 = arith.constant 0 : i32
    %dma_start3A_35 = tpu.memref_slice %arg6[%dma_start3A_33, %dma_start3A_34] : memref<32x300xf32, #tpu.memory_space<vmem>> -> memref<1x300xf32, #tpu.memory_space<vmem>>
    %dma_start3A_36 = arith.constant 0 : i32
    %dma_start3A_37 = tpu.memref_slice %arg2[%squeeze3A_27, %dma_start3A_36] : memref<100000x300xf32, #tpu.memory_space<hbm>> -> memref<1x300xf32, #tpu.memory_space<hbm>>
    tpu.enqueue_dma source(%dma_start3A_37 : memref<1x300xf32, #tpu.memory_space<hbm>>) target(%dma_start3A_35 : memref<1x300xf32, #tpu.memory_space<vmem>>) target_semaphore(%arg7 : memref<!tpu.dma_semaphore, #tpu.memory_space<semaphore_mem>>)
    %slice3A_38 = vector.extract_strided_slice %get3A_4 {offsets = [3], sizes = [1], strides = [1]} : vector<16xi32> to vector<1xi32>
    %squeeze3A_39 = vector.extract %slice3A_38[0] : i32 from vector<1xi32>
    %dma_start3A_40 = arith.constant 3 : i32
    %dma_start3A_41 = arith.constant 0 : i32
    %dma_start3A_42 = tpu.memref_slice %arg6[%dma_start3A_40, %dma_start3A_41] : memref<32x300xf32, #tpu.memory_space<vmem>> -> memref<1x300xf32, #tpu.memory_space<vmem>>
    %dma_start3A_43 = arith.constant 0 : i32
    %dma_start3A_44 = tpu.memref_slice %arg2[%squeeze3A_39, %dma_start3A_43] : memref<100000x300xf32, #tpu.memory_space<hbm>> -> memref<1x300xf32, #tpu.memory_space<hbm>>
    %dma_start3A_45 = arith.constant 3 : i32
    %dma_start3A_46 = arith.constant 0 : i32
    %dma_start3A_47 = tpu.memref_slice %arg6[%dma_start3A_45, %dma_start3A_46] : memref<32x300xf32, #tpu.memory_space<vmem>> -> memref<1x300xf32, #tpu.memory_space<vmem>>
    %dma_start3A_48 = arith.constant 0 : i32
    %dma_start3A_49 = tpu.memref_slice %arg2[%squeeze3A_39, %dma_start3A_48] : memref<100000x300xf32, #tpu.memory_space<hbm>> -> memref<1x300xf32, #tpu.memory_space<hbm>>
    tpu.enqueue_dma source(%dma_start3A_49 : memref<1x300xf32, #tpu.memory_space<hbm>>) target(%dma_start3A_47 : memref<1x300xf32, #tpu.memory_space<vmem>>) target_semaphore(%arg7 : memref<!tpu.dma_semaphore, #tpu.memory_space<semaphore_mem>>)
    %slice3A_50 = vector.extract_strided_slice %get3A_4 {offsets = [4], sizes = [1], strides = [1]} : vector<16xi32> to vector<1xi32>
    %squeeze3A_51 = vector.extract %slice3A_50[0] : i32 from vector<1xi32>
    %dma_start3A_52 = arith.constant 4 : i32
    %dma_start3A_53 = arith.constant 0 : i32
    %dma_start3A_54 = tpu.memref_slice %arg6[%dma_start3A_52, %dma_start3A_53] : memref<32x300xf32, #tpu.memory_space<vmem>> -> memref<1x300xf32, #tpu.memory_space<vmem>>
    %dma_start3A_55 = arith.constant 0 : i32
    %dma_start3A_56 = tpu.memref_slice %arg2[%squeeze3A_51, %dma_start3A_55] : memref<100000x300xf32, #tpu.memory_space<hbm>> -> memref<1x300xf32, #tpu.memory_space<hbm>>
    %dma_start3A_57 = arith.constant 4 : i32
    %dma_start3A_58 = arith.constant 0 : i32
    %dma_start3A_59 = tpu.memref_slice %arg6[%dma_start3A_57, %dma_start3A_58] : memref<32x300xf32, #tpu.memory_space<vmem>> -> memref<1x300xf32, #tpu.memory_space<vmem>>
    %dma_start3A_60 = arith.constant 0 : i32
    %dma_start3A_61 = tpu.memref_slice %arg2[%squeeze3A_51, %dma_start3A_60] : memref<100000x300xf32, #tpu.memory_space<hbm>> -> memref<1x300xf32, #tpu.memory_space<hbm>>
    tpu.enqueue_dma source(%dma_start3A_61 : memref<1x300xf32, #tpu.memory_space<hbm>>) target(%dma_start3A_59 : memref<1x300xf32, #tpu.memory_space<vmem>>) target_semaphore(%arg7 : memref<!tpu.dma_semaphore, #tpu.memory_space<semaphore_mem>>)
    %slice3A_62 = vector.extract_strided_slice %get3A_4 {offsets = [5], sizes = [1], strides = [1]} : vector<16xi32> to vector<1xi32>
    %squeeze3A_63 = vector.extract %slice3A_62[0] : i32 from vector<1xi32>
    %dma_start3A_64 = arith.constant 5 : i32
    %dma_start3A_65 = arith.constant 0 : i32
    %dma_start3A_66 = tpu.memref_slice %arg6[%dma_start3A_64, %dma_start3A_65] : memref<32x300xf32, #tpu.memory_space<vmem>> -> memref<1x300xf32, #tpu.memory_space<vmem>>
    %dma_start3A_67 = arith.constant 0 : i32
    %dma_start3A_68 = tpu.memref_slice %arg2[%squeeze3A_63, %dma_start3A_67] : memref<100000x300xf32, #tpu.memory_space<hbm>> -> memref<1x300xf32, #tpu.memory_space<hbm>>
    %dma_start3A_69 = arith.constant 5 : i32
    %dma_start3A_70 = arith.constant 0 : i32
    %dma_start3A_71 = tpu.memref_slice %arg6[%dma_start3A_69, %dma_start3A_70] : memref<32x300xf32, #tpu.memory_space<vmem>> -> memref<1x300xf32, #tpu.memory_space<vmem>>
    %dma_start3A_72 = arith.constant 0 : i32
    %dma_start3A_73 = tpu.memref_slice %arg2[%squeeze3A_63, %dma_start3A_72] : memref<100000x300xf32, #tpu.memory_space<hbm>> -> memref<1x300xf32, #tpu.memory_space<hbm>>
    tpu.enqueue_dma source(%dma_start3A_73 : memref<1x300xf32, #tpu.memory_space<hbm>>) target(%dma_start3A_71 : memref<1x300xf32, #tpu.memory_space<vmem>>) target_semaphore(%arg7 : memref<!tpu.dma_semaphore, #tpu.memory_space<semaphore_mem>>)
    %slice3A_74 = vector.extract_strided_slice %get3A_4 {offsets = [6], sizes = [1], strides = [1]} : vector<16xi32> to vector<1xi32>
    %squeeze3A_75 = vector.extract %slice3A_74[0] : i32 from vector<1xi32>
    %dma_start3A_76 = arith.constant 6 : i32
    %dma_start3A_77 = arith.constant 0 : i32
    %dma_start3A_78 = tpu.memref_slice %arg6[%dma_start3A_76, %dma_start3A_77] : memref<32x300xf32, #tpu.memory_space<vmem>> -> memref<1x300xf32, #tpu.memory_space<vmem>>
    %dma_start3A_79 = arith.constant 0 : i32
    %dma_start3A_80 = tpu.memref_slice %arg2[%squeeze3A_75, %dma_start3A_79] : memref<100000x300xf32, #tpu.memory_space<hbm>> -> memref<1x300xf32, #tpu.memory_space<hbm>>
    %dma_start3A_81 = arith.constant 6 : i32
    %dma_start3A_82 = arith.constant 0 : i32
    %dma_start3A_83 = tpu.memref_slice %arg6[%dma_start3A_81, %dma_start3A_82] : memref<32x300xf32, #tpu.memory_space<vmem>> -> memref<1x300xf32, #tpu.memory_space<vmem>>
    %dma_start3A_84 = arith.constant 0 : i32
    %dma_start3A_85 = tpu.memref_slice %arg2[%squeeze3A_75, %dma_start3A_84] : memref<100000x300xf32, #tpu.memory_space<hbm>> -> memref<1x300xf32, #tpu.memory_space<hbm>>
    tpu.enqueue_dma source(%dma_start3A_85 : memref<1x300xf32, #tpu.memory_space<hbm>>) target(%dma_start3A_83 : memref<1x300xf32, #tpu.memory_space<vmem>>) target_semaphore(%arg7 : memref<!tpu.dma_semaphore, #tpu.memory_space<semaphore_mem>>)
    %slice3A_86 = vector.extract_strided_slice %get3A_4 {offsets = [7], sizes = [1], strides = [1]} : vector<16xi32> to vector<1xi32>
    %squeeze3A_87 = vector.extract %slice3A_86[0] : i32 from vector<1xi32>
    %dma_start3A_88 = arith.constant 7 : i32
    %dma_start3A_89 = arith.constant 0 : i32
    %dma_start3A_90 = tpu.memref_slice %arg6[%dma_start3A_88, %dma_start3A_89] : memref<32x300xf32, #tpu.memory_space<vmem>> -> memref<1x300xf32, #tpu.memory_space<vmem>>
    %dma_start3A_91 = arith.constant 0 : i32
    %dma_start3A_92 = tpu.memref_slice %arg2[%squeeze3A_87, %dma_start3A_91] : memref<100000x300xf32, #tpu.memory_space<hbm>> -> memref<1x300xf32, #tpu.memory_space<hbm>>
    %dma_start3A_93 = arith.constant 7 : i32
    %dma_start3A_94 = arith.constant 0 : i32
    %dma_start3A_95 = tpu.memref_slice %arg6[%dma_start3A_93, %dma_start3A_94] : memref<32x300xf32, #tpu.memory_space<vmem>> -> memref<1x300xf32, #tpu.memory_space<vmem>>
    %dma_start3A_96 = arith.constant 0 : i32
    %dma_start3A_97 = tpu.memref_slice %arg2[%squeeze3A_87, %dma_start3A_96] : memref<100000x300xf32, #tpu.memory_space<hbm>> -> memref<1x300xf32, #tpu.memory_space<hbm>>
    tpu.enqueue_dma source(%dma_start3A_97 : memref<1x300xf32, #tpu.memory_space<hbm>>) target(%dma_start3A_95 : memref<1x300xf32, #tpu.memory_space<vmem>>) target_semaphore(%arg7 : memref<!tpu.dma_semaphore, #tpu.memory_space<semaphore_mem>>)
    %slice3A_98 = vector.extract_strided_slice %get3A_4 {offsets = [8], sizes = [1], strides = [1]} : vector<16xi32> to vector<1xi32>
    %squeeze3A_99 = vector.extract %slice3A_98[0] : i32 from vector<1xi32>
    %dma_start3A_100 = arith.constant 8 : i32
    %dma_start3A_101 = arith.constant 0 : i32
    %dma_start3A_102 = tpu.memref_slice %arg6[%dma_start3A_100, %dma_start3A_101] : memref<32x300xf32, #tpu.memory_space<vmem>> -> memref<1x300xf32, #tpu.memory_space<vmem>>
    %dma_start3A_103 = arith.constant 0 : i32
    %dma_start3A_104 = tpu.memref_slice %arg2[%squeeze3A_99, %dma_start3A_103] : memref<100000x300xf32, #tpu.memory_space<hbm>> -> memref<1x300xf32, #tpu.memory_space<hbm>>
    %dma_start3A_105 = arith.constant 8 : i32
    %dma_start3A_106 = arith.constant 0 : i32
    %dma_start3A_107 = tpu.memref_slice %arg6[%dma_start3A_105, %dma_start3A_106] : memref<32x300xf32, #tpu.memory_space<vmem>> -> memref<1x300xf32, #tpu.memory_space<vmem>>
    %dma_start3A_108 = arith.constant 0 : i32
    %dma_start3A_109 = tpu.memref_slice %arg2[%squeeze3A_99, %dma_start3A_108] : memref<100000x300xf32, #tpu.memory_space<hbm>> -> memref<1x300xf32, #tpu.memory_space<hbm>>
    tpu.enqueue_dma source(%dma_start3A_109 : memref<1x300xf32, #tpu.memory_space<hbm>>) target(%dma_start3A_107 : memref<1x300xf32, #tpu.memory_space<vmem>>) target_semaphore(%arg7 : memref<!tpu.dma_semaphore, #tpu.memory_space<semaphore_mem>>)
    %slice3A_110 = vector.extract_strided_slice %get3A_4 {offsets = [9], sizes = [1], strides = [1]} : vector<16xi32> to vector<1xi32>
    %squeeze3A_111 = vector.extract %slice3A_110[0] : i32 from vector<1xi32>
    %dma_start3A_112 = arith.constant 9 : i32
    %dma_start3A_113 = arith.constant 0 : i32
    %dma_start3A_114 = tpu.memref_slice %arg6[%dma_start3A_112, %dma_start3A_113] : memref<32x300xf32, #tpu.memory_space<vmem>> -> memref<1x300xf32, #tpu.memory_space<vmem>>
    %dma_start3A_115 = arith.constant 0 : i32
    %dma_start3A_116 = tpu.memref_slice %arg2[%squeeze3A_111, %dma_start3A_115] : memref<100000x300xf32, #tpu.memory_space<hbm>> -> memref<1x300xf32, #tpu.memory_space<hbm>>
    %dma_start3A_117 = arith.constant 9 : i32
    %dma_start3A_118 = arith.constant 0 : i32
    %dma_start3A_119 = tpu.memref_slice %arg6[%dma_start3A_117, %dma_start3A_118] : memref<32x300xf32, #tpu.memory_space<vmem>> -> memref<1x300xf32, #tpu.memory_space<vmem>>
    %dma_start3A_120 = arith.constant 0 : i32
    %dma_start3A_121 = tpu.memref_slice %arg2[%squeeze3A_111, %dma_start3A_120] : memref<100000x300xf32, #tpu.memory_space<hbm>> -> memref<1x300xf32, #tpu.memory_space<hbm>>
    tpu.enqueue_dma source(%dma_start3A_121 : memref<1x300xf32, #tpu.memory_space<hbm>>) target(%dma_start3A_119 : memref<1x300xf32, #tpu.memory_space<vmem>>) target_semaphore(%arg7 : memref<!tpu.dma_semaphore, #tpu.memory_space<semaphore_mem>>)
    %slice3A_122 = vector.extract_strided_slice %get3A_4 {offsets = [10], sizes = [1], strides = [1]} : vector<16xi32> to vector<1xi32>
    %squeeze3A_123 = vector.extract %slice3A_122[0] : i32 from vector<1xi32>
    %dma_start3A_124 = arith.constant 10 : i32
    %dma_start3A_125 = arith.constant 0 : i32
    %dma_start3A_126 = tpu.memref_slice %arg6[%dma_start3A_124, %dma_start3A_125] : memref<32x300xf32, #tpu.memory_space<vmem>> -> memref<1x300xf32, #tpu.memory_space<vmem>>
    %dma_start3A_127 = arith.constant 0 : i32
    %dma_start3A_128 = tpu.memref_slice %arg2[%squeeze3A_123, %dma_start3A_127] : memref<100000x300xf32, #tpu.memory_space<hbm>> -> memref<1x300xf32, #tpu.memory_space<hbm>>
    %dma_start3A_129 = arith.constant 10 : i32
    %dma_start3A_130 = arith.constant 0 : i32
    %dma_start3A_131 = tpu.memref_slice %arg6[%dma_start3A_129, %dma_start3A_130] : memref<32x300xf32, #tpu.memory_space<vmem>> -> memref<1x300xf32, #tpu.memory_space<vmem>>
    %dma_start3A_132 = arith.constant 0 : i32
    %dma_start3A_133 = tpu.memref_slice %arg2[%squeeze3A_123, %dma_start3A_132] : memref<100000x300xf32, #tpu.memory_space<hbm>> -> memref<1x300xf32, #tpu.memory_space<hbm>>
    tpu.enqueue_dma source(%dma_start3A_133 : memref<1x300xf32, #tpu.memory_space<hbm>>) target(%dma_start3A_131 : memref<1x300xf32, #tpu.memory_space<vmem>>) target_semaphore(%arg7 : memref<!tpu.dma_semaphore, #tpu.memory_space<semaphore_mem>>)
    %slice3A_134 = vector.extract_strided_slice %get3A_4 {offsets = [11], sizes = [1], strides = [1]} : vector<16xi32> to vector<1xi32>
    %squeeze3A_135 = vector.extract %slice3A_134[0] : i32 from vector<1xi32>
    %dma_start3A_136 = arith.constant 11 : i32
    %dma_start3A_137 = arith.constant 0 : i32
    %dma_start3A_138 = tpu.memref_slice %arg6[%dma_start3A_136, %dma_start3A_137] : memref<32x300xf32, #tpu.memory_space<vmem>> -> memref<1x300xf32, #tpu.memory_space<vmem>>
    %dma_start3A_139 = arith.constant 0 : i32
    %dma_start3A_140 = tpu.memref_slice %arg2[%squeeze3A_135, %dma_start3A_139] : memref<100000x300xf32, #tpu.memory_space<hbm>> -> memref<1x300xf32, #tpu.memory_space<hbm>>
    %dma_start3A_141 = arith.constant 11 : i32
    %dma_start3A_142 = arith.constant 0 : i32
    %dma_start3A_143 = tpu.memref_slice %arg6[%dma_start3A_141, %dma_start3A_142] : memref<32x300xf32, #tpu.memory_space<vmem>> -> memref<1x300xf32, #tpu.memory_space<vmem>>
    %dma_start3A_144 = arith.constant 0 : i32
    %dma_start3A_145 = tpu.memref_slice %arg2[%squeeze3A_135, %dma_start3A_144] : memref<100000x300xf32, #tpu.memory_space<hbm>> -> memref<1x300xf32, #tpu.memory_space<hbm>>
    tpu.enqueue_dma source(%dma_start3A_145 : memref<1x300xf32, #tpu.memory_space<hbm>>) target(%dma_start3A_143 : memref<1x300xf32, #tpu.memory_space<vmem>>) target_semaphore(%arg7 : memref<!tpu.dma_semaphore, #tpu.memory_space<semaphore_mem>>)
    %slice3A_146 = vector.extract_strided_slice %get3A_4 {offsets = [12], sizes = [1], strides = [1]} : vector<16xi32> to vector<1xi32>
    %squeeze3A_147 = vector.extract %slice3A_146[0] : i32 from vector<1xi32>
    %dma_start3A_148 = arith.constant 12 : i32
    %dma_start3A_149 = arith.constant 0 : i32
    %dma_start3A_150 = tpu.memref_slice %arg6[%dma_start3A_148, %dma_start3A_149] : memref<32x300xf32, #tpu.memory_space<vmem>> -> memref<1x300xf32, #tpu.memory_space<vmem>>
    %dma_start3A_151 = arith.constant 0 : i32
    %dma_start3A_152 = tpu.memref_slice %arg2[%squeeze3A_147, %dma_start3A_151] : memref<100000x300xf32, #tpu.memory_space<hbm>> -> memref<1x300xf32, #tpu.memory_space<hbm>>
    %dma_start3A_153 = arith.constant 12 : i32
    %dma_start3A_154 = arith.constant 0 : i32
    %dma_start3A_155 = tpu.memref_slice %arg6[%dma_start3A_153, %dma_start3A_154] : memref<32x300xf32, #tpu.memory_space<vmem>> -> memref<1x300xf32, #tpu.memory_space<vmem>>
    %dma_start3A_156 = arith.constant 0 : i32
    %dma_start3A_157 = tpu.memref_slice %arg2[%squeeze3A_147, %dma_start3A_156] : memref<100000x300xf32, #tpu.memory_space<hbm>> -> memref<1x300xf32, #tpu.memory_space<hbm>>
    tpu.enqueue_dma source(%dma_start3A_157 : memref<1x300xf32, #tpu.memory_space<hbm>>) target(%dma_start3A_155 : memref<1x300xf32, #tpu.memory_space<vmem>>) target_semaphore(%arg7 : memref<!tpu.dma_semaphore, #tpu.memory_space<semaphore_mem>>)
    %slice3A_158 = vector.extract_strided_slice %get3A_4 {offsets = [13], sizes = [1], strides = [1]} : vector<16xi32> to vector<1xi32>
    %squeeze3A_159 = vector.extract %slice3A_158[0] : i32 from vector<1xi32>
    %dma_start3A_160 = arith.constant 13 : i32
    %dma_start3A_161 = arith.constant 0 : i32
    %dma_start3A_162 = tpu.memref_slice %arg6[%dma_start3A_160, %dma_start3A_161] : memref<32x300xf32, #tpu.memory_space<vmem>> -> memref<1x300xf32, #tpu.memory_space<vmem>>
    %dma_start3A_163 = arith.constant 0 : i32
    %dma_start3A_164 = tpu.memref_slice %arg2[%squeeze3A_159, %dma_start3A_163] : memref<100000x300xf32, #tpu.memory_space<hbm>> -> memref<1x300xf32, #tpu.memory_space<hbm>>
    %dma_start3A_165 = arith.constant 13 : i32
    %dma_start3A_166 = arith.constant 0 : i32
    %dma_start3A_167 = tpu.memref_slice %arg6[%dma_start3A_165, %dma_start3A_166] : memref<32x300xf32, #tpu.memory_space<vmem>> -> memref<1x300xf32, #tpu.memory_space<vmem>>
    %dma_start3A_168 = arith.constant 0 : i32
    %dma_start3A_169 = tpu.memref_slice %arg2[%squeeze3A_159, %dma_start3A_168] : memref<100000x300xf32, #tpu.memory_space<hbm>> -> memref<1x300xf32, #tpu.memory_space<hbm>>
    tpu.enqueue_dma source(%dma_start3A_169 : memref<1x300xf32, #tpu.memory_space<hbm>>) target(%dma_start3A_167 : memref<1x300xf32, #tpu.memory_space<vmem>>) target_semaphore(%arg7 : memref<!tpu.dma_semaphore, #tpu.memory_space<semaphore_mem>>)
    %slice3A_170 = vector.extract_strided_slice %get3A_4 {offsets = [14], sizes = [1], strides = [1]} : vector<16xi32> to vector<1xi32>
    %squeeze3A_171 = vector.extract %slice3A_170[0] : i32 from vector<1xi32>
    %dma_start3A_172 = arith.constant 14 : i32
    %dma_start3A_173 = arith.constant 0 : i32
    %dma_start3A_174 = tpu.memref_slice %arg6[%dma_start3A_172, %dma_start3A_173] : memref<32x300xf32, #tpu.memory_space<vmem>> -> memref<1x300xf32, #tpu.memory_space<vmem>>
    %dma_start3A_175 = arith.constant 0 : i32
    %dma_start3A_176 = tpu.memref_slice %arg2[%squeeze3A_171, %dma_start3A_175] : memref<100000x300xf32, #tpu.memory_space<hbm>> -> memref<1x300xf32, #tpu.memory_space<hbm>>
    %dma_start3A_177 = arith.constant 14 : i32
    %dma_start3A_178 = arith.constant 0 : i32
    %dma_start3A_179 = tpu.memref_slice %arg6[%dma_start3A_177, %dma_start3A_178] : memref<32x300xf32, #tpu.memory_space<vmem>> -> memref<1x300xf32, #tpu.memory_space<vmem>>
    %dma_start3A_180 = arith.constant 0 : i32
    %dma_start3A_181 = tpu.memref_slice %arg2[%squeeze3A_171, %dma_start3A_180] : memref<100000x300xf32, #tpu.memory_space<hbm>> -> memref<1x300xf32, #tpu.memory_space<hbm>>
    tpu.enqueue_dma source(%dma_start3A_181 : memref<1x300xf32, #tpu.memory_space<hbm>>) target(%dma_start3A_179 : memref<1x300xf32, #tpu.memory_space<vmem>>) target_semaphore(%arg7 : memref<!tpu.dma_semaphore, #tpu.memory_space<semaphore_mem>>)
    %slice3A_182 = vector.extract_strided_slice %get3A_4 {offsets = [15], sizes = [1], strides = [1]} : vector<16xi32> to vector<1xi32>
    %squeeze3A_183 = vector.extract %slice3A_182[0] : i32 from vector<1xi32>
    %dma_start3A_184 = arith.constant 15 : i32
    %dma_start3A_185 = arith.constant 0 : i32
    %dma_start3A_186 = tpu.memref_slice %arg6[%dma_start3A_184, %dma_start3A_185] : memref<32x300xf32, #tpu.memory_space<vmem>> -> memref<1x300xf32, #tpu.memory_space<vmem>>
    %dma_start3A_187 = arith.constant 0 : i32
    %dma_start3A_188 = tpu.memref_slice %arg2[%squeeze3A_183, %dma_start3A_187] : memref<100000x300xf32, #tpu.memory_space<hbm>> -> memref<1x300xf32, #tpu.memory_space<hbm>>
    %dma_start3A_189 = arith.constant 15 : i32
    %dma_start3A_190 = arith.constant 0 : i32
    %dma_start3A_191 = tpu.memref_slice %arg6[%dma_start3A_189, %dma_start3A_190] : memref<32x300xf32, #tpu.memory_space<vmem>> -> memref<1x300xf32, #tpu.memory_space<vmem>>
    %dma_start3A_192 = arith.constant 0 : i32
    %dma_start3A_193 = tpu.memref_slice %arg2[%squeeze3A_183, %dma_start3A_192] : memref<100000x300xf32, #tpu.memory_space<hbm>> -> memref<1x300xf32, #tpu.memory_space<hbm>>
    tpu.enqueue_dma source(%dma_start3A_193 : memref<1x300xf32, #tpu.memory_space<hbm>>) target(%dma_start3A_191 : memref<1x300xf32, #tpu.memory_space<vmem>>) target_semaphore(%arg7 : memref<!tpu.dma_semaphore, #tpu.memory_space<semaphore_mem>>)
    %get3A_194 = arith.constant 16 : index
    %get3A_195 = tpu.vector_load %arg5[%get3A_194] {strides = array<i32>} : memref<32xi32, #tpu.memory_space<vmem>>, vector<16xi32>,
    %get3A_196 = vector.shape_cast %get3A_195 : vector<16xi32> to vector<16xi32>
    %slice3A_197 = vector.extract_strided_slice %get3A_196 {offsets = [0], sizes = [1], strides = [1]} : vector<16xi32> to vector<1xi32>
    %squeeze3A_198 = vector.extract %slice3A_197[0] : i32 from vector<1xi32>
    %dma_start3A_199 = arith.constant 16 : i32
    %dma_start3A_200 = arith.constant 0 : i32
    %dma_start3A_201 = tpu.memref_slice %arg6[%dma_start3A_199, %dma_start3A_200] : memref<32x300xf32, #tpu.memory_space<vmem>> -> memref<1x300xf32, #tpu.memory_space<vmem>>
    %dma_start3A_202 = arith.constant 0 : i32
    %dma_start3A_203 = tpu.memref_slice %arg2[%squeeze3A_198, %dma_start3A_202] : memref<100000x300xf32, #tpu.memory_space<hbm>> -> memref<1x300xf32, #tpu.memory_space<hbm>>
    %dma_start3A_204 = arith.constant 16 : i32
    %dma_start3A_205 = arith.constant 0 : i32
    %dma_start3A_206 = tpu.memref_slice %arg6[%dma_start3A_204, %dma_start3A_205] : memref<32x300xf32, #tpu.memory_space<vmem>> -> memref<1x300xf32, #tpu.memory_space<vmem>>
    %dma_start3A_207 = arith.constant 0 : i32
    %dma_start3A_208 = tpu.memref_slice %arg2[%squeeze3A_198, %dma_start3A_207] : memref<100000x300xf32, #tpu.memory_space<hbm>> -> memref<1x300xf32, #tpu.memory_space<hbm>>
    tpu.enqueue_dma source(%dma_start3A_208 : memref<1x300xf32, #tpu.memory_space<hbm>>) target(%dma_start3A_206 : memref<1x300xf32, #tpu.memory_space<vmem>>) target_semaphore(%arg7 : memref<!tpu.dma_semaphore, #tpu.memory_space<semaphore_mem>>)
    %slice3A_209 = vector.extract_strided_slice %get3A_196 {offsets = [1], sizes = [1], strides = [1]} : vector<16xi32> to vector<1xi32>
    %squeeze3A_210 = vector.extract %slice3A_209[0] : i32 from vector<1xi32>
    %dma_start3A_211 = arith.constant 17 : i32
    %dma_start3A_212 = arith.constant 0 : i32
    %dma_start3A_213 = tpu.memref_slice %arg6[%dma_start3A_211, %dma_start3A_212] : memref<32x300xf32, #tpu.memory_space<vmem>> -> memref<1x300xf32, #tpu.memory_space<vmem>>
    %dma_start3A_214 = arith.constant 0 : i32
    %dma_start3A_215 = tpu.memref_slice %arg2[%squeeze3A_210, %dma_start3A_214] : memref<100000x300xf32, #tpu.memory_space<hbm>> -> memref<1x300xf32, #tpu.memory_space<hbm>>
    %dma_start3A_216 = arith.constant 17 : i32
    %dma_start3A_217 = arith.constant 0 : i32
    %dma_start3A_218 = tpu.memref_slice %arg6[%dma_start3A_216, %dma_start3A_217] : memref<32x300xf32, #tpu.memory_space<vmem>> -> memref<1x300xf32, #tpu.memory_space<vmem>>
    %dma_start3A_219 = arith.constant 0 : i32
    %dma_start3A_220 = tpu.memref_slice %arg2[%squeeze3A_210, %dma_start3A_219] : memref<100000x300xf32, #tpu.memory_space<hbm>> -> memref<1x300xf32, #tpu.memory_space<hbm>>
    tpu.enqueue_dma source(%dma_start3A_220 : memref<1x300xf32, #tpu.memory_space<hbm>>) target(%dma_start3A_218 : memref<1x300xf32, #tpu.memory_space<vmem>>) target_semaphore(%arg7 : memref<!tpu.dma_semaphore, #tpu.memory_space<semaphore_mem>>)
    %slice3A_221 = vector.extract_strided_slice %get3A_196 {offsets = [2], sizes = [1], strides = [1]} : vector<16xi32> to vector<1xi32>
    %squeeze3A_222 = vector.extract %slice3A_221[0] : i32 from vector<1xi32>
    %dma_start3A_223 = arith.constant 18 : i32
    %dma_start3A_224 = arith.constant 0 : i32
    %dma_start3A_225 = tpu.memref_slice %arg6[%dma_start3A_223, %dma_start3A_224] : memref<32x300xf32, #tpu.memory_space<vmem>> -> memref<1x300xf32, #tpu.memory_space<vmem>>
    %dma_start3A_226 = arith.constant 0 : i32
    %dma_start3A_227 = tpu.memref_slice %arg2[%squeeze3A_222, %dma_start3A_226] : memref<100000x300xf32, #tpu.memory_space<hbm>> -> memref<1x300xf32, #tpu.memory_space<hbm>>
    %dma_start3A_228 = arith.constant 18 : i32
    %dma_start3A_229 = arith.constant 0 : i32
    %dma_start3A_230 = tpu.memref_slice %arg6[%dma_start3A_228, %dma_start3A_229] : memref<32x300xf32, #tpu.memory_space<vmem>> -> memref<1x300xf32, #tpu.memory_space<vmem>>
    %dma_start3A_231 = arith.constant 0 : i32
    %dma_start3A_232 = tpu.memref_slice %arg2[%squeeze3A_222, %dma_start3A_231] : memref<100000x300xf32, #tpu.memory_space<hbm>> -> memref<1x300xf32, #tpu.memory_space<hbm>>
    tpu.enqueue_dma source(%dma_start3A_232 : memref<1x300xf32, #tpu.memory_space<hbm>>) target(%dma_start3A_230 : memref<1x300xf32, #tpu.memory_space<vmem>>) target_semaphore(%arg7 : memref<!tpu.dma_semaphore, #tpu.memory_space<semaphore_mem>>)
    %slice3A_233 = vector.extract_strided_slice %get3A_196 {offsets = [3], sizes = [1], strides = [1]} : vector<16xi32> to vector<1xi32>
    %squeeze3A_234 = vector.extract %slice3A_233[0] : i32 from vector<1xi32>
    %dma_start3A_235 = arith.constant 19 : i32
    %dma_start3A_236 = arith.constant 0 : i32
    %dma_start3A_237 = tpu.memref_slice %arg6[%dma_start3A_235, %dma_start3A_236] : memref<32x300xf32, #tpu.memory_space<vmem>> -> memref<1x300xf32, #tpu.memory_space<vmem>>
    %dma_start3A_238 = arith.constant 0 : i32
    %dma_start3A_239 = tpu.memref_slice %arg2[%squeeze3A_234, %dma_start3A_238] : memref<100000x300xf32, #tpu.memory_space<hbm>> -> memref<1x300xf32, #tpu.memory_space<hbm>>
    %dma_start3A_240 = arith.constant 19 : i32
    %dma_start3A_241 = arith.constant 0 : i32
    %dma_start3A_242 = tpu.memref_slice %arg6[%dma_start3A_240, %dma_start3A_241] : memref<32x300xf32, #tpu.memory_space<vmem>> -> memref<1x300xf32, #tpu.memory_space<vmem>>
    %dma_start3A_243 = arith.constant 0 : i32
    %dma_start3A_244 = tpu.memref_slice %arg2[%squeeze3A_234, %dma_start3A_243] : memref<100000x300xf32, #tpu.memory_space<hbm>> -> memref<1x300xf32, #tpu.memory_space<hbm>>
    tpu.enqueue_dma source(%dma_start3A_244 : memref<1x300xf32, #tpu.memory_space<hbm>>) target(%dma_start3A_242 : memref<1x300xf32, #tpu.memory_space<vmem>>) target_semaphore(%arg7 : memref<!tpu.dma_semaphore, #tpu.memory_space<semaphore_mem>>)
    %slice3A_245 = vector.extract_strided_slice %get3A_196 {offsets = [4], sizes = [1], strides = [1]} : vector<16xi32> to vector<1xi32>
    %squeeze3A_246 = vector.extract %slice3A_245[0] : i32 from vector<1xi32>
    %dma_start3A_247 = arith.constant 20 : i32
    %dma_start3A_248 = arith.constant 0 : i32
    %dma_start3A_249 = tpu.memref_slice %arg6[%dma_start3A_247, %dma_start3A_248] : memref<32x300xf32, #tpu.memory_space<vmem>> -> memref<1x300xf32, #tpu.memory_space<vmem>>
    %dma_start3A_250 = arith.constant 0 : i32
    %dma_start3A_251 = tpu.memref_slice %arg2[%squeeze3A_246, %dma_start3A_250] : memref<100000x300xf32, #tpu.memory_space<hbm>> -> memref<1x300xf32, #tpu.memory_space<hbm>>
    %dma_start3A_252 = arith.constant 20 : i32
    %dma_start3A_253 = arith.constant 0 : i32
    %dma_start3A_254 = tpu.memref_slice %arg6[%dma_start3A_252, %dma_start3A_253] : memref<32x300xf32, #tpu.memory_space<vmem>> -> memref<1x300xf32, #tpu.memory_space<vmem>>
    %dma_start3A_255 = arith.constant 0 : i32
    %dma_start3A_256 = tpu.memref_slice %arg2[%squeeze3A_246, %dma_start3A_255] : memref<100000x300xf32, #tpu.memory_space<hbm>> -> memref<1x300xf32, #tpu.memory_space<hbm>>
    tpu.enqueue_dma source(%dma_start3A_256 : memref<1x300xf32, #tpu.memory_space<hbm>>) target(%dma_start3A_254 : memref<1x300xf32, #tpu.memory_space<vmem>>) target_semaphore(%arg7 : memref<!tpu.dma_semaphore, #tpu.memory_space<semaphore_mem>>)
    %slice3A_257 = vector.extract_strided_slice %get3A_196 {offsets = [5], sizes = [1], strides = [1]} : vector<16xi32> to vector<1xi32>
    %squeeze3A_258 = vector.extract %slice3A_257[0] : i32 from vector<1xi32>
    %dma_start3A_259 = arith.constant 21 : i32
    %dma_start3A_260 = arith.constant 0 : i32
    %dma_start3A_261 = tpu.memref_slice %arg6[%dma_start3A_259, %dma_start3A_260] : memref<32x300xf32, #tpu.memory_space<vmem>> -> memref<1x300xf32, #tpu.memory_space<vmem>>
    %dma_start3A_262 = arith.constant 0 : i32
    %dma_start3A_263 = tpu.memref_slice %arg2[%squeeze3A_258, %dma_start3A_262] : memref<100000x300xf32, #tpu.memory_space<hbm>> -> memref<1x300xf32, #tpu.memory_space<hbm>>
    %dma_start3A_264 = arith.constant 21 : i32
    %dma_start3A_265 = arith.constant 0 : i32
    %dma_start3A_266 = tpu.memref_slice %arg6[%dma_start3A_264, %dma_start3A_265] : memref<32x300xf32, #tpu.memory_space<vmem>> -> memref<1x300xf32, #tpu.memory_space<vmem>>
    %dma_start3A_267 = arith.constant 0 : i32
    %dma_start3A_268 = tpu.memref_slice %arg2[%squeeze3A_258, %dma_start3A_267] : memref<100000x300xf32, #tpu.memory_space<hbm>> -> memref<1x300xf32, #tpu.memory_space<hbm>>
    tpu.enqueue_dma source(%dma_start3A_268 : memref<1x300xf32, #tpu.memory_space<hbm>>) target(%dma_start3A_266 : memref<1x300xf32, #tpu.memory_space<vmem>>) target_semaphore(%arg7 : memref<!tpu.dma_semaphore, #tpu.memory_space<semaphore_mem>>)
    %slice3A_269 = vector.extract_strided_slice %get3A_196 {offsets = [6], sizes = [1], strides = [1]} : vector<16xi32> to vector<1xi32>
    %squeeze3A_270 = vector.extract %slice3A_269[0] : i32 from vector<1xi32>
    %dma_start3A_271 = arith.constant 22 : i32
    %dma_start3A_272 = arith.constant 0 : i32
    %dma_start3A_273 = tpu.memref_slice %arg6[%dma_start3A_271, %dma_start3A_272] : memref<32x300xf32, #tpu.memory_space<vmem>> -> memref<1x300xf32, #tpu.memory_space<vmem>>
    %dma_start3A_274 = arith.constant 0 : i32
    %dma_start3A_275 = tpu.memref_slice %arg2[%squeeze3A_270, %dma_start3A_274] : memref<100000x300xf32, #tpu.memory_space<hbm>> -> memref<1x300xf32, #tpu.memory_space<hbm>>
    %dma_start3A_276 = arith.constant 22 : i32
    %dma_start3A_277 = arith.constant 0 : i32
    %dma_start3A_278 = tpu.memref_slice %arg6[%dma_start3A_276, %dma_start3A_277] : memref<32x300xf32, #tpu.memory_space<vmem>> -> memref<1x300xf32, #tpu.memory_space<vmem>>
    %dma_start3A_279 = arith.constant 0 : i32
    %dma_start3A_280 = tpu.memref_slice %arg2[%squeeze3A_270, %dma_start3A_279] : memref<100000x300xf32, #tpu.memory_space<hbm>> -> memref<1x300xf32, #tpu.memory_space<hbm>>
    tpu.enqueue_dma source(%dma_start3A_280 : memref<1x300xf32, #tpu.memory_space<hbm>>) target(%dma_start3A_278 : memref<1x300xf32, #tpu.memory_space<vmem>>) target_semaphore(%arg7 : memref<!tpu.dma_semaphore, #tpu.memory_space<semaphore_mem>>)
    %slice3A_281 = vector.extract_strided_slice %get3A_196 {offsets = [7], sizes = [1], strides = [1]} : vector<16xi32> to vector<1xi32>
    %squeeze3A_282 = vector.extract %slice3A_281[0] : i32 from vector<1xi32>
    %dma_start3A_283 = arith.constant 23 : i32
    %dma_start3A_284 = arith.constant 0 : i32
    %dma_start3A_285 = tpu.memref_slice %arg6[%dma_start3A_283, %dma_start3A_284] : memref<32x300xf32, #tpu.memory_space<vmem>> -> memref<1x300xf32, #tpu.memory_space<vmem>>
    %dma_start3A_286 = arith.constant 0 : i32
    %dma_start3A_287 = tpu.memref_slice %arg2[%squeeze3A_282, %dma_start3A_286] : memref<100000x300xf32, #tpu.memory_space<hbm>> -> memref<1x300xf32, #tpu.memory_space<hbm>>
    %dma_start3A_288 = arith.constant 23 : i32
    %dma_start3A_289 = arith.constant 0 : i32
    %dma_start3A_290 = tpu.memref_slice %arg6[%dma_start3A_288, %dma_start3A_289] : memref<32x300xf32, #tpu.memory_space<vmem>> -> memref<1x300xf32, #tpu.memory_space<vmem>>
    %dma_start3A_291 = arith.constant 0 : i32
    %dma_start3A_292 = tpu.memref_slice %arg2[%squeeze3A_282, %dma_start3A_291] : memref<100000x300xf32, #tpu.memory_space<hbm>> -> memref<1x300xf32, #tpu.memory_space<hbm>>
    tpu.enqueue_dma source(%dma_start3A_292 : memref<1x300xf32, #tpu.memory_space<hbm>>) target(%dma_start3A_290 : memref<1x300xf32, #tpu.memory_space<vmem>>) target_semaphore(%arg7 : memref<!tpu.dma_semaphore, #tpu.memory_space<semaphore_mem>>)
    %slice3A_293 = vector.extract_strided_slice %get3A_196 {offsets = [8], sizes = [1], strides = [1]} : vector<16xi32> to vector<1xi32>
    %squeeze3A_294 = vector.extract %slice3A_293[0] : i32 from vector<1xi32>
    %dma_start3A_295 = arith.constant 24 : i32
    %dma_start3A_296 = arith.constant 0 : i32
    %dma_start3A_297 = tpu.memref_slice %arg6[%dma_start3A_295, %dma_start3A_296] : memref<32x300xf32, #tpu.memory_space<vmem>> -> memref<1x300xf32, #tpu.memory_space<vmem>>
    %dma_start3A_298 = arith.constant 0 : i32
    %dma_start3A_299 = tpu.memref_slice %arg2[%squeeze3A_294, %dma_start3A_298] : memref<100000x300xf32, #tpu.memory_space<hbm>> -> memref<1x300xf32, #tpu.memory_space<hbm>>
    %dma_start3A_300 = arith.constant 24 : i32
    %dma_start3A_301 = arith.constant 0 : i32
    %dma_start3A_302 = tpu.memref_slice %arg6[%dma_start3A_300, %dma_start3A_301] : memref<32x300xf32, #tpu.memory_space<vmem>> -> memref<1x300xf32, #tpu.memory_space<vmem>>
    %dma_start3A_303 = arith.constant 0 : i32
    %dma_start3A_304 = tpu.memref_slice %arg2[%squeeze3A_294, %dma_start3A_303] : memref<100000x300xf32, #tpu.memory_space<hbm>> -> memref<1x300xf32, #tpu.memory_space<hbm>>
    tpu.enqueue_dma source(%dma_start3A_304 : memref<1x300xf32, #tpu.memory_space<hbm>>) target(%dma_start3A_302 : memref<1x300xf32, #tpu.memory_space<vmem>>) target_semaphore(%arg7 : memref<!tpu.dma_semaphore, #tpu.memory_space<semaphore_mem>>)
    %slice3A_305 = vector.extract_strided_slice %get3A_196 {offsets = [9], sizes = [1], strides = [1]} : vector<16xi32> to vector<1xi32>
    %squeeze3A_306 = vector.extract %slice3A_305[0] : i32 from vector<1xi32>
    %dma_start3A_307 = arith.constant 25 : i32
    %dma_start3A_308 = arith.constant 0 : i32
    %dma_start3A_309 = tpu.memref_slice %arg6[%dma_start3A_307, %dma_start3A_308] : memref<32x300xf32, #tpu.memory_space<vmem>> -> memref<1x300xf32, #tpu.memory_space<vmem>>
    %dma_start3A_310 = arith.constant 0 : i32
    %dma_start3A_311 = tpu.memref_slice %arg2[%squeeze3A_306, %dma_start3A_310] : memref<100000x300xf32, #tpu.memory_space<hbm>> -> memref<1x300xf32, #tpu.memory_space<hbm>>
    %dma_start3A_312 = arith.constant 25 : i32
    %dma_start3A_313 = arith.constant 0 : i32
    %dma_start3A_314 = tpu.memref_slice %arg6[%dma_start3A_312, %dma_start3A_313] : memref<32x300xf32, #tpu.memory_space<vmem>> -> memref<1x300xf32, #tpu.memory_space<vmem>>
    %dma_start3A_315 = arith.constant 0 : i32
    %dma_start3A_316 = tpu.memref_slice %arg2[%squeeze3A_306, %dma_start3A_315] : memref<100000x300xf32, #tpu.memory_space<hbm>> -> memref<1x300xf32, #tpu.memory_space<hbm>>
    tpu.enqueue_dma source(%dma_start3A_316 : memref<1x300xf32, #tpu.memory_space<hbm>>) target(%dma_start3A_314 : memref<1x300xf32, #tpu.memory_space<vmem>>) target_semaphore(%arg7 : memref<!tpu.dma_semaphore, #tpu.memory_space<semaphore_mem>>)
    %slice3A_317 = vector.extract_strided_slice %get3A_196 {offsets = [10], sizes = [1], strides = [1]} : vector<16xi32> to vector<1xi32>
    %squeeze3A_318 = vector.extract %slice3A_317[0] : i32 from vector<1xi32>
    %dma_start3A_319 = arith.constant 26 : i32
    %dma_start3A_320 = arith.constant 0 : i32
    %dma_start3A_321 = tpu.memref_slice %arg6[%dma_start3A_319, %dma_start3A_320] : memref<32x300xf32, #tpu.memory_space<vmem>> -> memref<1x300xf32, #tpu.memory_space<vmem>>
    %dma_start3A_322 = arith.constant 0 : i32
    %dma_start3A_323 = tpu.memref_slice %arg2[%squeeze3A_318, %dma_start3A_322] : memref<100000x300xf32, #tpu.memory_space<hbm>> -> memref<1x300xf32, #tpu.memory_space<hbm>>
    %dma_start3A_324 = arith.constant 26 : i32
    %dma_start3A_325 = arith.constant 0 : i32
    %dma_start3A_326 = tpu.memref_slice %arg6[%dma_start3A_324, %dma_start3A_325] : memref<32x300xf32, #tpu.memory_space<vmem>> -> memref<1x300xf32, #tpu.memory_space<vmem>>
    %dma_start3A_327 = arith.constant 0 : i32
    %dma_start3A_328 = tpu.memref_slice %arg2[%squeeze3A_318, %dma_start3A_327] : memref<100000x300xf32, #tpu.memory_space<hbm>> -> memref<1x300xf32, #tpu.memory_space<hbm>>
    tpu.enqueue_dma source(%dma_start3A_328 : memref<1x300xf32, #tpu.memory_space<hbm>>) target(%dma_start3A_326 : memref<1x300xf32, #tpu.memory_space<vmem>>) target_semaphore(%arg7 : memref<!tpu.dma_semaphore, #tpu.memory_space<semaphore_mem>>)
    %slice3A_329 = vector.extract_strided_slice %get3A_196 {offsets = [11], sizes = [1], strides = [1]} : vector<16xi32> to vector<1xi32>
    %squeeze3A_330 = vector.extract %slice3A_329[0] : i32 from vector<1xi32>
    %dma_start3A_331 = arith.constant 27 : i32
    %dma_start3A_332 = arith.constant 0 : i32
    %dma_start3A_333 = tpu.memref_slice %arg6[%dma_start3A_331, %dma_start3A_332] : memref<32x300xf32, #tpu.memory_space<vmem>> -> memref<1x300xf32, #tpu.memory_space<vmem>>
    %dma_start3A_334 = arith.constant 0 : i32
    %dma_start3A_335 = tpu.memref_slice %arg2[%squeeze3A_330, %dma_start3A_334] : memref<100000x300xf32, #tpu.memory_space<hbm>> -> memref<1x300xf32, #tpu.memory_space<hbm>>
    %dma_start3A_336 = arith.constant 27 : i32
    %dma_start3A_337 = arith.constant 0 : i32
    %dma_start3A_338 = tpu.memref_slice %arg6[%dma_start3A_336, %dma_start3A_337] : memref<32x300xf32, #tpu.memory_space<vmem>> -> memref<1x300xf32, #tpu.memory_space<vmem>>
    %dma_start3A_339 = arith.constant 0 : i32
    %dma_start3A_340 = tpu.memref_slice %arg2[%squeeze3A_330, %dma_start3A_339] : memref<100000x300xf32, #tpu.memory_space<hbm>> -> memref<1x300xf32, #tpu.memory_space<hbm>>
    tpu.enqueue_dma source(%dma_start3A_340 : memref<1x300xf32, #tpu.memory_space<hbm>>) target(%dma_start3A_338 : memref<1x300xf32, #tpu.memory_space<vmem>>) target_semaphore(%arg7 : memref<!tpu.dma_semaphore, #tpu.memory_space<semaphore_mem>>)
    %slice3A_341 = vector.extract_strided_slice %get3A_196 {offsets = [12], sizes = [1], strides = [1]} : vector<16xi32> to vector<1xi32>
    %squeeze3A_342 = vector.extract %slice3A_341[0] : i32 from vector<1xi32>
    %dma_start3A_343 = arith.constant 28 : i32
    %dma_start3A_344 = arith.constant 0 : i32
    %dma_start3A_345 = tpu.memref_slice %arg6[%dma_start3A_343, %dma_start3A_344] : memref<32x300xf32, #tpu.memory_space<vmem>> -> memref<1x300xf32, #tpu.memory_space<vmem>>
    %dma_start3A_346 = arith.constant 0 : i32
    %dma_start3A_347 = tpu.memref_slice %arg2[%squeeze3A_342, %dma_start3A_346] : memref<100000x300xf32, #tpu.memory_space<hbm>> -> memref<1x300xf32, #tpu.memory_space<hbm>>
    %dma_start3A_348 = arith.constant 28 : i32
    %dma_start3A_349 = arith.constant 0 : i32
    %dma_start3A_350 = tpu.memref_slice %arg6[%dma_start3A_348, %dma_start3A_349] : memref<32x300xf32, #tpu.memory_space<vmem>> -> memref<1x300xf32, #tpu.memory_space<vmem>>
    %dma_start3A_351 = arith.constant 0 : i32
    %dma_start3A_352 = tpu.memref_slice %arg2[%squeeze3A_342, %dma_start3A_351] : memref<100000x300xf32, #tpu.memory_space<hbm>> -> memref<1x300xf32, #tpu.memory_space<hbm>>
    tpu.enqueue_dma source(%dma_start3A_352 : memref<1x300xf32, #tpu.memory_space<hbm>>) target(%dma_start3A_350 : memref<1x300xf32, #tpu.memory_space<vmem>>) target_semaphore(%arg7 : memref<!tpu.dma_semaphore, #tpu.memory_space<semaphore_mem>>)
    %slice3A_353 = vector.extract_strided_slice %get3A_196 {offsets = [13], sizes = [1], strides = [1]} : vector<16xi32> to vector<1xi32>
    %squeeze3A_354 = vector.extract %slice3A_353[0] : i32 from vector<1xi32>
    %dma_start3A_355 = arith.constant 29 : i32
    %dma_start3A_356 = arith.constant 0 : i32
    %dma_start3A_357 = tpu.memref_slice %arg6[%dma_start3A_355, %dma_start3A_356] : memref<32x300xf32, #tpu.memory_space<vmem>> -> memref<1x300xf32, #tpu.memory_space<vmem>>
    %dma_start3A_358 = arith.constant 0 : i32
    %dma_start3A_359 = tpu.memref_slice %arg2[%squeeze3A_354, %dma_start3A_358] : memref<100000x300xf32, #tpu.memory_space<hbm>> -> memref<1x300xf32, #tpu.memory_space<hbm>>
    %dma_start3A_360 = arith.constant 29 : i32
    %dma_start3A_361 = arith.constant 0 : i32
    %dma_start3A_362 = tpu.memref_slice %arg6[%dma_start3A_360, %dma_start3A_361] : memref<32x300xf32, #tpu.memory_space<vmem>> -> memref<1x300xf32, #tpu.memory_space<vmem>>
    %dma_start3A_363 = arith.constant 0 : i32
    %dma_start3A_364 = tpu.memref_slice %arg2[%squeeze3A_354, %dma_start3A_363] : memref<100000x300xf32, #tpu.memory_space<hbm>> -> memref<1x300xf32, #tpu.memory_space<hbm>>
    tpu.enqueue_dma source(%dma_start3A_364 : memref<1x300xf32, #tpu.memory_space<hbm>>) target(%dma_start3A_362 : memref<1x300xf32, #tpu.memory_space<vmem>>) target_semaphore(%arg7 : memref<!tpu.dma_semaphore, #tpu.memory_space<semaphore_mem>>)
    %slice3A_365 = vector.extract_strided_slice %get3A_196 {offsets = [14], sizes = [1], strides = [1]} : vector<16xi32> to vector<1xi32>
    %squeeze3A_366 = vector.extract %slice3A_365[0] : i32 from vector<1xi32>
    %dma_start3A_367 = arith.constant 30 : i32
    %dma_start3A_368 = arith.constant 0 : i32
    %dma_start3A_369 = tpu.memref_slice %arg6[%dma_start3A_367, %dma_start3A_368] : memref<32x300xf32, #tpu.memory_space<vmem>> -> memref<1x300xf32, #tpu.memory_space<vmem>>
    %dma_start3A_370 = arith.constant 0 : i32
    %dma_start3A_371 = tpu.memref_slice %arg2[%squeeze3A_366, %dma_start3A_370] : memref<100000x300xf32, #tpu.memory_space<hbm>> -> memref<1x300xf32, #tpu.memory_space<hbm>>
    %dma_start3A_372 = arith.constant 30 : i32
    %dma_start3A_373 = arith.constant 0 : i32
    %dma_start3A_374 = tpu.memref_slice %arg6[%dma_start3A_372, %dma_start3A_373] : memref<32x300xf32, #tpu.memory_space<vmem>> -> memref<1x300xf32, #tpu.memory_space<vmem>>
    %dma_start3A_375 = arith.constant 0 : i32
    %dma_start3A_376 = tpu.memref_slice %arg2[%squeeze3A_366, %dma_start3A_375] : memref<100000x300xf32, #tpu.memory_space<hbm>> -> memref<1x300xf32, #tpu.memory_space<hbm>>
    tpu.enqueue_dma source(%dma_start3A_376 : memref<1x300xf32, #tpu.memory_space<hbm>>) target(%dma_start3A_374 : memref<1x300xf32, #tpu.memory_space<vmem>>) target_semaphore(%arg7 : memref<!tpu.dma_semaphore, #tpu.memory_space<semaphore_mem>>)
    %slice3A_377 = vector.extract_strided_slice %get3A_196 {offsets = [15], sizes = [1], strides = [1]} : vector<16xi32> to vector<1xi32>
    %squeeze3A_378 = vector.extract %slice3A_377[0] : i32 from vector<1xi32>
    %dma_start3A_379 = arith.constant 31 : i32
    %dma_start3A_380 = arith.constant 0 : i32
    %dma_start3A_381 = tpu.memref_slice %arg6[%dma_start3A_379, %dma_start3A_380] : memref<32x300xf32, #tpu.memory_space<vmem>> -> memref<1x300xf32, #tpu.memory_space<vmem>>
    %dma_start3A_382 = arith.constant 0 : i32
    %dma_start3A_383 = tpu.memref_slice %arg2[%squeeze3A_378, %dma_start3A_382] : memref<100000x300xf32, #tpu.memory_space<hbm>> -> memref<1x300xf32, #tpu.memory_space<hbm>>
    %dma_start3A_384 = arith.constant 31 : i32
    %dma_start3A_385 = arith.constant 0 : i32
    %dma_start3A_386 = tpu.memref_slice %arg6[%dma_start3A_384, %dma_start3A_385] : memref<32x300xf32, #tpu.memory_space<vmem>> -> memref<1x300xf32, #tpu.memory_space<vmem>>
    %dma_start3A_387 = arith.constant 0 : i32
    %dma_start3A_388 = tpu.memref_slice %arg2[%squeeze3A_378, %dma_start3A_387] : memref<100000x300xf32, #tpu.memory_space<hbm>> -> memref<1x300xf32, #tpu.memory_space<hbm>>
    tpu.enqueue_dma source(%dma_start3A_388 : memref<1x300xf32, #tpu.memory_space<hbm>>) target(%dma_start3A_386 : memref<1x300xf32, #tpu.memory_space<vmem>>) target_semaphore(%arg7 : memref<!tpu.dma_semaphore, #tpu.memory_space<semaphore_mem>>)
    %dma_wait3A = arith.constant 0 : i32
    %dma_wait3A_389 = arith.constant 0 : i32
    %dma_wait3A_390 = tpu.memref_slice %arg6[%dma_wait3A, %dma_wait3A_389] : memref<32x300xf32, #tpu.memory_space<vmem>> -> memref<1x300xf32, #tpu.memory_space<vmem>>
    %dma_wait3A_391 = arith.constant 0 : i32
    %dma_wait3A_392 = tpu.memref_slice %arg2[%squeeze3A, %dma_wait3A_391] : memref<100000x300xf32, #tpu.memory_space<hbm>> -> memref<1x300xf32, #tpu.memory_space<hbm>>
    %dma_wait3A_393 = arith.constant 0 : i32
    %dma_wait3A_394 = arith.constant 0 : i32
    %dma_wait3A_395 = tpu.memref_slice %arg6[%dma_wait3A_393, %dma_wait3A_394] : memref<32x300xf32, #tpu.memory_space<vmem>> -> memref<1x300xf32, #tpu.memory_space<vmem>>
    %dma_wait3A_396 = arith.constant 0 : i32
    %dma_wait3A_397 = tpu.memref_slice %arg2[%squeeze3A, %dma_wait3A_396] : memref<100000x300xf32, #tpu.memory_space<hbm>> -> memref<1x300xf32, #tpu.memory_space<hbm>>
    tpu.wait_dma2 semaphore(%arg7 : memref<!tpu.dma_semaphore, #tpu.memory_space<semaphore_mem>>) src(%dma_wait3A_397 : memref<1x300xf32, #tpu.memory_space<hbm>>) dst(%dma_wait3A_395 : memref<1x300xf32, #tpu.memory_space<vmem>>)
    %dma_wait3A_398 = arith.constant 1 : i32
    %dma_wait3A_399 = arith.constant 0 : i32
    %dma_wait3A_400 = tpu.memref_slice %arg6[%dma_wait3A_398, %dma_wait3A_399] : memref<32x300xf32, #tpu.memory_space<vmem>> -> memref<1x300xf32, #tpu.memory_space<vmem>>
    %dma_wait3A_401 = arith.constant 0 : i32
    %dma_wait3A_402 = tpu.memref_slice %arg2[%squeeze3A_15, %dma_wait3A_401] : memref<100000x300xf32, #tpu.memory_space<hbm>> -> memref<1x300xf32, #tpu.memory_space<hbm>>
    %dma_wait3A_403 = arith.constant 1 : i32
    %dma_wait3A_404 = arith.constant 0 : i32
    %dma_wait3A_405 = tpu.memref_slice %arg6[%dma_wait3A_403, %dma_wait3A_404] : memref<32x300xf32, #tpu.memory_space<vmem>> -> memref<1x300xf32, #tpu.memory_space<vmem>>
    %dma_wait3A_406 = arith.constant 0 : i32
    %dma_wait3A_407 = tpu.memref_slice %arg2[%squeeze3A_15, %dma_wait3A_406] : memref<100000x300xf32, #tpu.memory_space<hbm>> -> memref<1x300xf32, #tpu.memory_space<hbm>>
    tpu.wait_dma2 semaphore(%arg7 : memref<!tpu.dma_semaphore, #tpu.memory_space<semaphore_mem>>) src(%dma_wait3A_407 : memref<1x300xf32, #tpu.memory_space<hbm>>) dst(%dma_wait3A_405 : memref<1x300xf32, #tpu.memory_space<vmem>>)
    %dma_wait3A_408 = arith.constant 2 : i32
    %dma_wait3A_409 = arith.constant 0 : i32
    %dma_wait3A_410 = tpu.memref_slice %arg6[%dma_wait3A_408, %dma_wait3A_409] : memref<32x300xf32, #tpu.memory_space<vmem>> -> memref<1x300xf32, #tpu.memory_space<vmem>>
    %dma_wait3A_411 = arith.constant 0 : i32
    %dma_wait3A_412 = tpu.memref_slice %arg2[%squeeze3A_27, %dma_wait3A_411] : memref<100000x300xf32, #tpu.memory_space<hbm>> -> memref<1x300xf32, #tpu.memory_space<hbm>>
    %dma_wait3A_413 = arith.constant 2 : i32
    %dma_wait3A_414 = arith.constant 0 : i32
    %dma_wait3A_415 = tpu.memref_slice %arg6[%dma_wait3A_413, %dma_wait3A_414] : memref<32x300xf32, #tpu.memory_space<vmem>> -> memref<1x300xf32, #tpu.memory_space<vmem>>
    %dma_wait3A_416 = arith.constant 0 : i32
    %dma_wait3A_417 = tpu.memref_slice %arg2[%squeeze3A_27, %dma_wait3A_416] : memref<100000x300xf32, #tpu.memory_space<hbm>> -> memref<1x300xf32, #tpu.memory_space<hbm>>
    tpu.wait_dma2 semaphore(%arg7 : memref<!tpu.dma_semaphore, #tpu.memory_space<semaphore_mem>>) src(%dma_wait3A_417 : memref<1x300xf32, #tpu.memory_space<hbm>>) dst(%dma_wait3A_415 : memref<1x300xf32, #tpu.memory_space<vmem>>)
    %dma_wait3A_418 = arith.constant 3 : i32
    %dma_wait3A_419 = arith.constant 0 : i32
    %dma_wait3A_420 = tpu.memref_slice %arg6[%dma_wait3A_418, %dma_wait3A_419] : memref<32x300xf32, #tpu.memory_space<vmem>> -> memref<1x300xf32, #tpu.memory_space<vmem>>
    %dma_wait3A_421 = arith.constant 0 : i32
    %dma_wait3A_422 = tpu.memref_slice %arg2[%squeeze3A_39, %dma_wait3A_421] : memref<100000x300xf32, #tpu.memory_space<hbm>> -> memref<1x300xf32, #tpu.memory_space<hbm>>
    %dma_wait3A_423 = arith.constant 3 : i32
    %dma_wait3A_424 = arith.constant 0 : i32
    %dma_wait3A_425 = tpu.memref_slice %arg6[%dma_wait3A_423, %dma_wait3A_424] : memref<32x300xf32, #tpu.memory_space<vmem>> -> memref<1x300xf32, #tpu.memory_space<vmem>>
    %dma_wait3A_426 = arith.constant 0 : i32
    %dma_wait3A_427 = tpu.memref_slice %arg2[%squeeze3A_39, %dma_wait3A_426] : memref<100000x300xf32, #tpu.memory_space<hbm>> -> memref<1x300xf32, #tpu.memory_space<hbm>>
    tpu.wait_dma2 semaphore(%arg7 : memref<!tpu.dma_semaphore, #tpu.memory_space<semaphore_mem>>) src(%dma_wait3A_427 : memref<1x300xf32, #tpu.memory_space<hbm>>) dst(%dma_wait3A_425 : memref<1x300xf32, #tpu.memory_space<vmem>>)
    %dma_wait3A_428 = arith.constant 4 : i32
    %dma_wait3A_429 = arith.constant 0 : i32
    %dma_wait3A_430 = tpu.memref_slice %arg6[%dma_wait3A_428, %dma_wait3A_429] : memref<32x300xf32, #tpu.memory_space<vmem>> -> memref<1x300xf32, #tpu.memory_space<vmem>>
    %dma_wait3A_431 = arith.constant 0 : i32
    %dma_wait3A_432 = tpu.memref_slice %arg2[%squeeze3A_51, %dma_wait3A_431] : memref<100000x300xf32, #tpu.memory_space<hbm>> -> memref<1x300xf32, #tpu.memory_space<hbm>>
    %dma_wait3A_433 = arith.constant 4 : i32
    %dma_wait3A_434 = arith.constant 0 : i32
    %dma_wait3A_435 = tpu.memref_slice %arg6[%dma_wait3A_433, %dma_wait3A_434] : memref<32x300xf32, #tpu.memory_space<vmem>> -> memref<1x300xf32, #tpu.memory_space<vmem>>
    %dma_wait3A_436 = arith.constant 0 : i32
    %dma_wait3A_437 = tpu.memref_slice %arg2[%squeeze3A_51, %dma_wait3A_436] : memref<100000x300xf32, #tpu.memory_space<hbm>> -> memref<1x300xf32, #tpu.memory_space<hbm>>
    tpu.wait_dma2 semaphore(%arg7 : memref<!tpu.dma_semaphore, #tpu.memory_space<semaphore_mem>>) src(%dma_wait3A_437 : memref<1x300xf32, #tpu.memory_space<hbm>>) dst(%dma_wait3A_435 : memref<1x300xf32, #tpu.memory_space<vmem>>)
    %dma_wait3A_438 = arith.constant 5 : i32
    %dma_wait3A_439 = arith.constant 0 : i32
    %dma_wait3A_440 = tpu.memref_slice %arg6[%dma_wait3A_438, %dma_wait3A_439] : memref<32x300xf32, #tpu.memory_space<vmem>> -> memref<1x300xf32, #tpu.memory_space<vmem>>
    %dma_wait3A_441 = arith.constant 0 : i32
    %dma_wait3A_442 = tpu.memref_slice %arg2[%squeeze3A_63, %dma_wait3A_441] : memref<100000x300xf32, #tpu.memory_space<hbm>> -> memref<1x300xf32, #tpu.memory_space<hbm>>
    %dma_wait3A_443 = arith.constant 5 : i32
    %dma_wait3A_444 = arith.constant 0 : i32
    %dma_wait3A_445 = tpu.memref_slice %arg6[%dma_wait3A_443, %dma_wait3A_444] : memref<32x300xf32, #tpu.memory_space<vmem>> -> memref<1x300xf32, #tpu.memory_space<vmem>>
    %dma_wait3A_446 = arith.constant 0 : i32
    %dma_wait3A_447 = tpu.memref_slice %arg2[%squeeze3A_63, %dma_wait3A_446] : memref<100000x300xf32, #tpu.memory_space<hbm>> -> memref<1x300xf32, #tpu.memory_space<hbm>>
    tpu.wait_dma2 semaphore(%arg7 : memref<!tpu.dma_semaphore, #tpu.memory_space<semaphore_mem>>) src(%dma_wait3A_447 : memref<1x300xf32, #tpu.memory_space<hbm>>) dst(%dma_wait3A_445 : memref<1x300xf32, #tpu.memory_space<vmem>>)
    %dma_wait3A_448 = arith.constant 6 : i32
    %dma_wait3A_449 = arith.constant 0 : i32
    %dma_wait3A_450 = tpu.memref_slice %arg6[%dma_wait3A_448, %dma_wait3A_449] : memref<32x300xf32, #tpu.memory_space<vmem>> -> memref<1x300xf32, #tpu.memory_space<vmem>>
    %dma_wait3A_451 = arith.constant 0 : i32
    %dma_wait3A_452 = tpu.memref_slice %arg2[%squeeze3A_75, %dma_wait3A_451] : memref<100000x300xf32, #tpu.memory_space<hbm>> -> memref<1x300xf32, #tpu.memory_space<hbm>>
    %dma_wait3A_453 = arith.constant 6 : i32
    %dma_wait3A_454 = arith.constant 0 : i32
    %dma_wait3A_455 = tpu.memref_slice %arg6[%dma_wait3A_453, %dma_wait3A_454] : memref<32x300xf32, #tpu.memory_space<vmem>> -> memref<1x300xf32, #tpu.memory_space<vmem>>
    %dma_wait3A_456 = arith.constant 0 : i32
    %dma_wait3A_457 = tpu.memref_slice %arg2[%squeeze3A_75, %dma_wait3A_456] : memref<100000x300xf32, #tpu.memory_space<hbm>> -> memref<1x300xf32, #tpu.memory_space<hbm>>
    tpu.wait_dma2 semaphore(%arg7 : memref<!tpu.dma_semaphore, #tpu.memory_space<semaphore_mem>>) src(%dma_wait3A_457 : memref<1x300xf32, #tpu.memory_space<hbm>>) dst(%dma_wait3A_455 : memref<1x300xf32, #tpu.memory_space<vmem>>)
    %dma_wait3A_458 = arith.constant 7 : i32
    %dma_wait3A_459 = arith.constant 0 : i32
    %dma_wait3A_460 = tpu.memref_slice %arg6[%dma_wait3A_458, %dma_wait3A_459] : memref<32x300xf32, #tpu.memory_space<vmem>> -> memref<1x300xf32, #tpu.memory_space<vmem>>
    %dma_wait3A_461 = arith.constant 0 : i32
    %dma_wait3A_462 = tpu.memref_slice %arg2[%squeeze3A_87, %dma_wait3A_461] : memref<100000x300xf32, #tpu.memory_space<hbm>> -> memref<1x300xf32, #tpu.memory_space<hbm>>
    %dma_wait3A_463 = arith.constant 7 : i32
    %dma_wait3A_464 = arith.constant 0 : i32
    %dma_wait3A_465 = tpu.memref_slice %arg6[%dma_wait3A_463, %dma_wait3A_464] : memref<32x300xf32, #tpu.memory_space<vmem>> -> memref<1x300xf32, #tpu.memory_space<vmem>>
    %dma_wait3A_466 = arith.constant 0 : i32
    %dma_wait3A_467 = tpu.memref_slice %arg2[%squeeze3A_87, %dma_wait3A_466] : memref<100000x300xf32, #tpu.memory_space<hbm>> -> memref<1x300xf32, #tpu.memory_space<hbm>>
    tpu.wait_dma2 semaphore(%arg7 : memref<!tpu.dma_semaphore, #tpu.memory_space<semaphore_mem>>) src(%dma_wait3A_467 : memref<1x300xf32, #tpu.memory_space<hbm>>) dst(%dma_wait3A_465 : memref<1x300xf32, #tpu.memory_space<vmem>>)
    %dma_wait3A_468 = arith.constant 8 : i32
    %dma_wait3A_469 = arith.constant 0 : i32
    %dma_wait3A_470 = tpu.memref_slice %arg6[%dma_wait3A_468, %dma_wait3A_469] : memref<32x300xf32, #tpu.memory_space<vmem>> -> memref<1x300xf32, #tpu.memory_space<vmem>>
    %dma_wait3A_471 = arith.constant 0 : i32
    %dma_wait3A_472 = tpu.memref_slice %arg2[%squeeze3A_99, %dma_wait3A_471] : memref<100000x300xf32, #tpu.memory_space<hbm>> -> memref<1x300xf32, #tpu.memory_space<hbm>>
    %dma_wait3A_473 = arith.constant 8 : i32
    %dma_wait3A_474 = arith.constant 0 : i32
    %dma_wait3A_475 = tpu.memref_slice %arg6[%dma_wait3A_473, %dma_wait3A_474] : memref<32x300xf32, #tpu.memory_space<vmem>> -> memref<1x300xf32, #tpu.memory_space<vmem>>
    %dma_wait3A_476 = arith.constant 0 : i32
    %dma_wait3A_477 = tpu.memref_slice %arg2[%squeeze3A_99, %dma_wait3A_476] : memref<100000x300xf32, #tpu.memory_space<hbm>> -> memref<1x300xf32, #tpu.memory_space<hbm>>
    tpu.wait_dma2 semaphore(%arg7 : memref<!tpu.dma_semaphore, #tpu.memory_space<semaphore_mem>>) src(%dma_wait3A_477 : memref<1x300xf32, #tpu.memory_space<hbm>>) dst(%dma_wait3A_475 : memref<1x300xf32, #tpu.memory_space<vmem>>)
    %dma_wait3A_478 = arith.constant 9 : i32
    %dma_wait3A_479 = arith.constant 0 : i32
    %dma_wait3A_480 = tpu.memref_slice %arg6[%dma_wait3A_478, %dma_wait3A_479] : memref<32x300xf32, #tpu.memory_space<vmem>> -> memref<1x300xf32, #tpu.memory_space<vmem>>
    %dma_wait3A_481 = arith.constant 0 : i32
    %dma_wait3A_482 = tpu.memref_slice %arg2[%squeeze3A_111, %dma_wait3A_481] : memref<100000x300xf32, #tpu.memory_space<hbm>> -> memref<1x300xf32, #tpu.memory_space<hbm>>
    %dma_wait3A_483 = arith.constant 9 : i32
    %dma_wait3A_484 = arith.constant 0 : i32
    %dma_wait3A_485 = tpu.memref_slice %arg6[%dma_wait3A_483, %dma_wait3A_484] : memref<32x300xf32, #tpu.memory_space<vmem>> -> memref<1x300xf32, #tpu.memory_space<vmem>>
    %dma_wait3A_486 = arith.constant 0 : i32
    %dma_wait3A_487 = tpu.memref_slice %arg2[%squeeze3A_111, %dma_wait3A_486] : memref<100000x300xf32, #tpu.memory_space<hbm>> -> memref<1x300xf32, #tpu.memory_space<hbm>>
    tpu.wait_dma2 semaphore(%arg7 : memref<!tpu.dma_semaphore, #tpu.memory_space<semaphore_mem>>) src(%dma_wait3A_487 : memref<1x300xf32, #tpu.memory_space<hbm>>) dst(%dma_wait3A_485 : memref<1x300xf32, #tpu.memory_space<vmem>>)
    %dma_wait3A_488 = arith.constant 10 : i32
    %dma_wait3A_489 = arith.constant 0 : i32
    %dma_wait3A_490 = tpu.memref_slice %arg6[%dma_wait3A_488, %dma_wait3A_489] : memref<32x300xf32, #tpu.memory_space<vmem>> -> memref<1x300xf32, #tpu.memory_space<vmem>>
    %dma_wait3A_491 = arith.constant 0 : i32
    %dma_wait3A_492 = tpu.memref_slice %arg2[%squeeze3A_123, %dma_wait3A_491] : memref<100000x300xf32, #tpu.memory_space<hbm>> -> memref<1x300xf32, #tpu.memory_space<hbm>>
    %dma_wait3A_493 = arith.constant 10 : i32
    %dma_wait3A_494 = arith.constant 0 : i32
    %dma_wait3A_495 = tpu.memref_slice %arg6[%dma_wait3A_493, %dma_wait3A_494] : memref<32x300xf32, #tpu.memory_space<vmem>> -> memref<1x300xf32, #tpu.memory_space<vmem>>
    %dma_wait3A_496 = arith.constant 0 : i32
    %dma_wait3A_497 = tpu.memref_slice %arg2[%squeeze3A_123, %dma_wait3A_496] : memref<100000x300xf32, #tpu.memory_space<hbm>> -> memref<1x300xf32, #tpu.memory_space<hbm>>
    tpu.wait_dma2 semaphore(%arg7 : memref<!tpu.dma_semaphore, #tpu.memory_space<semaphore_mem>>) src(%dma_wait3A_497 : memref<1x300xf32, #tpu.memory_space<hbm>>) dst(%dma_wait3A_495 : memref<1x300xf32, #tpu.memory_space<vmem>>)
    %dma_wait3A_498 = arith.constant 11 : i32
    %dma_wait3A_499 = arith.constant 0 : i32
    %dma_wait3A_500 = tpu.memref_slice %arg6[%dma_wait3A_498, %dma_wait3A_499] : memref<32x300xf32, #tpu.memory_space<vmem>> -> memref<1x300xf32, #tpu.memory_space<vmem>>
    %dma_wait3A_501 = arith.constant 0 : i32
    %dma_wait3A_502 = tpu.memref_slice %arg2[%squeeze3A_135, %dma_wait3A_501] : memref<100000x300xf32, #tpu.memory_space<hbm>> -> memref<1x300xf32, #tpu.memory_space<hbm>>
    %dma_wait3A_503 = arith.constant 11 : i32
    %dma_wait3A_504 = arith.constant 0 : i32
    %dma_wait3A_505 = tpu.memref_slice %arg6[%dma_wait3A_503, %dma_wait3A_504] : memref<32x300xf32, #tpu.memory_space<vmem>> -> memref<1x300xf32, #tpu.memory_space<vmem>>
    %dma_wait3A_506 = arith.constant 0 : i32
    %dma_wait3A_507 = tpu.memref_slice %arg2[%squeeze3A_135, %dma_wait3A_506] : memref<100000x300xf32, #tpu.memory_space<hbm>> -> memref<1x300xf32, #tpu.memory_space<hbm>>
    tpu.wait_dma2 semaphore(%arg7 : memref<!tpu.dma_semaphore, #tpu.memory_space<semaphore_mem>>) src(%dma_wait3A_507 : memref<1x300xf32, #tpu.memory_space<hbm>>) dst(%dma_wait3A_505 : memref<1x300xf32, #tpu.memory_space<vmem>>)
    %dma_wait3A_508 = arith.constant 12 : i32
    %dma_wait3A_509 = arith.constant 0 : i32
    %dma_wait3A_510 = tpu.memref_slice %arg6[%dma_wait3A_508, %dma_wait3A_509] : memref<32x300xf32, #tpu.memory_space<vmem>> -> memref<1x300xf32, #tpu.memory_space<vmem>>
    %dma_wait3A_511 = arith.constant 0 : i32
    %dma_wait3A_512 = tpu.memref_slice %arg2[%squeeze3A_147, %dma_wait3A_511] : memref<100000x300xf32, #tpu.memory_space<hbm>> -> memref<1x300xf32, #tpu.memory_space<hbm>>
    %dma_wait3A_513 = arith.constant 12 : i32
    %dma_wait3A_514 = arith.constant 0 : i32
    %dma_wait3A_515 = tpu.memref_slice %arg6[%dma_wait3A_513, %dma_wait3A_514] : memref<32x300xf32, #tpu.memory_space<vmem>> -> memref<1x300xf32, #tpu.memory_space<vmem>>
    %dma_wait3A_516 = arith.constant 0 : i32
    %dma_wait3A_517 = tpu.memref_slice %arg2[%squeeze3A_147, %dma_wait3A_516] : memref<100000x300xf32, #tpu.memory_space<hbm>> -> memref<1x300xf32, #tpu.memory_space<hbm>>
    tpu.wait_dma2 semaphore(%arg7 : memref<!tpu.dma_semaphore, #tpu.memory_space<semaphore_mem>>) src(%dma_wait3A_517 : memref<1x300xf32, #tpu.memory_space<hbm>>) dst(%dma_wait3A_515 : memref<1x300xf32, #tpu.memory_space<vmem>>)
    %dma_wait3A_518 = arith.constant 13 : i32
    %dma_wait3A_519 = arith.constant 0 : i32
    %dma_wait3A_520 = tpu.memref_slice %arg6[%dma_wait3A_518, %dma_wait3A_519] : memref<32x300xf32, #tpu.memory_space<vmem>> -> memref<1x300xf32, #tpu.memory_space<vmem>>
    %dma_wait3A_521 = arith.constant 0 : i32
    %dma_wait3A_522 = tpu.memref_slice %arg2[%squeeze3A_159, %dma_wait3A_521] : memref<100000x300xf32, #tpu.memory_space<hbm>> -> memref<1x300xf32, #tpu.memory_space<hbm>>
    %dma_wait3A_523 = arith.constant 13 : i32
    %dma_wait3A_524 = arith.constant 0 : i32
    %dma_wait3A_525 = tpu.memref_slice %arg6[%dma_wait3A_523, %dma_wait3A_524] : memref<32x300xf32, #tpu.memory_space<vmem>> -> memref<1x300xf32, #tpu.memory_space<vmem>>
    %dma_wait3A_526 = arith.constant 0 : i32
    %dma_wait3A_527 = tpu.memref_slice %arg2[%squeeze3A_159, %dma_wait3A_526] : memref<100000x300xf32, #tpu.memory_space<hbm>> -> memref<1x300xf32, #tpu.memory_space<hbm>>
    tpu.wait_dma2 semaphore(%arg7 : memref<!tpu.dma_semaphore, #tpu.memory_space<semaphore_mem>>) src(%dma_wait3A_527 : memref<1x300xf32, #tpu.memory_space<hbm>>) dst(%dma_wait3A_525 : memref<1x300xf32, #tpu.memory_space<vmem>>)
    %dma_wait3A_528 = arith.constant 14 : i32
    %dma_wait3A_529 = arith.constant 0 : i32
    %dma_wait3A_530 = tpu.memref_slice %arg6[%dma_wait3A_528, %dma_wait3A_529] : memref<32x300xf32, #tpu.memory_space<vmem>> -> memref<1x300xf32, #tpu.memory_space<vmem>>
    %dma_wait3A_531 = arith.constant 0 : i32
    %dma_wait3A_532 = tpu.memref_slice %arg2[%squeeze3A_171, %dma_wait3A_531] : memref<100000x300xf32, #tpu.memory_space<hbm>> -> memref<1x300xf32, #tpu.memory_space<hbm>>
    %dma_wait3A_533 = arith.constant 14 : i32
    %dma_wait3A_534 = arith.constant 0 : i32
    %dma_wait3A_535 = tpu.memref_slice %arg6[%dma_wait3A_533, %dma_wait3A_534] : memref<32x300xf32, #tpu.memory_space<vmem>> -> memref<1x300xf32, #tpu.memory_space<vmem>>
    %dma_wait3A_536 = arith.constant 0 : i32
    %dma_wait3A_537 = tpu.memref_slice %arg2[%squeeze3A_171, %dma_wait3A_536] : memref<100000x300xf32, #tpu.memory_space<hbm>> -> memref<1x300xf32, #tpu.memory_space<hbm>>
    tpu.wait_dma2 semaphore(%arg7 : memref<!tpu.dma_semaphore, #tpu.memory_space<semaphore_mem>>) src(%dma_wait3A_537 : memref<1x300xf32, #tpu.memory_space<hbm>>) dst(%dma_wait3A_535 : memref<1x300xf32, #tpu.memory_space<vmem>>)
    %dma_wait3A_538 = arith.constant 15 : i32
    %dma_wait3A_539 = arith.constant 0 : i32
    %dma_wait3A_540 = tpu.memref_slice %arg6[%dma_wait3A_538, %dma_wait3A_539] : memref<32x300xf32, #tpu.memory_space<vmem>> -> memref<1x300xf32, #tpu.memory_space<vmem>>
    %dma_wait3A_541 = arith.constant 0 : i32
    %dma_wait3A_542 = tpu.memref_slice %arg2[%squeeze3A_183, %dma_wait3A_541] : memref<100000x300xf32, #tpu.memory_space<hbm>> -> memref<1x300xf32, #tpu.memory_space<hbm>>
    %dma_wait3A_543 = arith.constant 15 : i32
    %dma_wait3A_544 = arith.constant 0 : i32
    %dma_wait3A_545 = tpu.memref_slice %arg6[%dma_wait3A_543, %dma_wait3A_544] : memref<32x300xf32, #tpu.memory_space<vmem>> -> memref<1x300xf32, #tpu.memory_space<vmem>>
    %dma_wait3A_546 = arith.constant 0 : i32
    %dma_wait3A_547 = tpu.memref_slice %arg2[%squeeze3A_183, %dma_wait3A_546] : memref<100000x300xf32, #tpu.memory_space<hbm>> -> memref<1x300xf32, #tpu.memory_space<hbm>>
    tpu.wait_dma2 semaphore(%arg7 : memref<!tpu.dma_semaphore, #tpu.memory_space<semaphore_mem>>) src(%dma_wait3A_547 : memref<1x300xf32, #tpu.memory_space<hbm>>) dst(%dma_wait3A_545 : memref<1x300xf32, #tpu.memory_space<vmem>>)
    %dma_wait3A_548 = arith.constant 16 : i32
    %dma_wait3A_549 = arith.constant 0 : i32
    %dma_wait3A_550 = tpu.memref_slice %arg6[%dma_wait3A_548, %dma_wait3A_549] : memref<32x300xf32, #tpu.memory_space<vmem>> -> memref<1x300xf32, #tpu.memory_space<vmem>>
    %dma_wait3A_551 = arith.constant 0 : i32
    %dma_wait3A_552 = tpu.memref_slice %arg2[%squeeze3A_198, %dma_wait3A_551] : memref<100000x300xf32, #tpu.memory_space<hbm>> -> memref<1x300xf32, #tpu.memory_space<hbm>>
    %dma_wait3A_553 = arith.constant 16 : i32
    %dma_wait3A_554 = arith.constant 0 : i32
    %dma_wait3A_555 = tpu.memref_slice %arg6[%dma_wait3A_553, %dma_wait3A_554] : memref<32x300xf32, #tpu.memory_space<vmem>> -> memref<1x300xf32, #tpu.memory_space<vmem>>
    %dma_wait3A_556 = arith.constant 0 : i32
    %dma_wait3A_557 = tpu.memref_slice %arg2[%squeeze3A_198, %dma_wait3A_556] : memref<100000x300xf32, #tpu.memory_space<hbm>> -> memref<1x300xf32, #tpu.memory_space<hbm>>
    tpu.wait_dma2 semaphore(%arg7 : memref<!tpu.dma_semaphore, #tpu.memory_space<semaphore_mem>>) src(%dma_wait3A_557 : memref<1x300xf32, #tpu.memory_space<hbm>>) dst(%dma_wait3A_555 : memref<1x300xf32, #tpu.memory_space<vmem>>)
    %dma_wait3A_558 = arith.constant 17 : i32
    %dma_wait3A_559 = arith.constant 0 : i32
    %dma_wait3A_560 = tpu.memref_slice %arg6[%dma_wait3A_558, %dma_wait3A_559] : memref<32x300xf32, #tpu.memory_space<vmem>> -> memref<1x300xf32, #tpu.memory_space<vmem>>
    %dma_wait3A_561 = arith.constant 0 : i32
    %dma_wait3A_562 = tpu.memref_slice %arg2[%squeeze3A_210, %dma_wait3A_561] : memref<100000x300xf32, #tpu.memory_space<hbm>> -> memref<1x300xf32, #tpu.memory_space<hbm>>
    %dma_wait3A_563 = arith.constant 17 : i32
    %dma_wait3A_564 = arith.constant 0 : i32
    %dma_wait3A_565 = tpu.memref_slice %arg6[%dma_wait3A_563, %dma_wait3A_564] : memref<32x300xf32, #tpu.memory_space<vmem>> -> memref<1x300xf32, #tpu.memory_space<vmem>>
    %dma_wait3A_566 = arith.constant 0 : i32
    %dma_wait3A_567 = tpu.memref_slice %arg2[%squeeze3A_210, %dma_wait3A_566] : memref<100000x300xf32, #tpu.memory_space<hbm>> -> memref<1x300xf32, #tpu.memory_space<hbm>>
    tpu.wait_dma2 semaphore(%arg7 : memref<!tpu.dma_semaphore, #tpu.memory_space<semaphore_mem>>) src(%dma_wait3A_567 : memref<1x300xf32, #tpu.memory_space<hbm>>) dst(%dma_wait3A_565 : memref<1x300xf32, #tpu.memory_space<vmem>>)
    %dma_wait3A_568 = arith.constant 18 : i32
    %dma_wait3A_569 = arith.constant 0 : i32
    %dma_wait3A_570 = tpu.memref_slice %arg6[%dma_wait3A_568, %dma_wait3A_569] : memref<32x300xf32, #tpu.memory_space<vmem>> -> memref<1x300xf32, #tpu.memory_space<vmem>>
    %dma_wait3A_571 = arith.constant 0 : i32
    %dma_wait3A_572 = tpu.memref_slice %arg2[%squeeze3A_222, %dma_wait3A_571] : memref<100000x300xf32, #tpu.memory_space<hbm>> -> memref<1x300xf32, #tpu.memory_space<hbm>>
    %dma_wait3A_573 = arith.constant 18 : i32
    %dma_wait3A_574 = arith.constant 0 : i32
    %dma_wait3A_575 = tpu.memref_slice %arg6[%dma_wait3A_573, %dma_wait3A_574] : memref<32x300xf32, #tpu.memory_space<vmem>> -> memref<1x300xf32, #tpu.memory_space<vmem>>
    %dma_wait3A_576 = arith.constant 0 : i32
    %dma_wait3A_577 = tpu.memref_slice %arg2[%squeeze3A_222, %dma_wait3A_576] : memref<100000x300xf32, #tpu.memory_space<hbm>> -> memref<1x300xf32, #tpu.memory_space<hbm>>
    tpu.wait_dma2 semaphore(%arg7 : memref<!tpu.dma_semaphore, #tpu.memory_space<semaphore_mem>>) src(%dma_wait3A_577 : memref<1x300xf32, #tpu.memory_space<hbm>>) dst(%dma_wait3A_575 : memref<1x300xf32, #tpu.memory_space<vmem>>)
    %dma_wait3A_578 = arith.constant 19 : i32
    %dma_wait3A_579 = arith.constant 0 : i32
    %dma_wait3A_580 = tpu.memref_slice %arg6[%dma_wait3A_578, %dma_wait3A_579] : memref<32x300xf32, #tpu.memory_space<vmem>> -> memref<1x300xf32, #tpu.memory_space<vmem>>
    %dma_wait3A_581 = arith.constant 0 : i32
    %dma_wait3A_582 = tpu.memref_slice %arg2[%squeeze3A_234, %dma_wait3A_581] : memref<100000x300xf32, #tpu.memory_space<hbm>> -> memref<1x300xf32, #tpu.memory_space<hbm>>
    %dma_wait3A_583 = arith.constant 19 : i32
    %dma_wait3A_584 = arith.constant 0 : i32
    %dma_wait3A_585 = tpu.memref_slice %arg6[%dma_wait3A_583, %dma_wait3A_584] : memref<32x300xf32, #tpu.memory_space<vmem>> -> memref<1x300xf32, #tpu.memory_space<vmem>>
    %dma_wait3A_586 = arith.constant 0 : i32
    %dma_wait3A_587 = tpu.memref_slice %arg2[%squeeze3A_234, %dma_wait3A_586] : memref<100000x300xf32, #tpu.memory_space<hbm>> -> memref<1x300xf32, #tpu.memory_space<hbm>>
    tpu.wait_dma2 semaphore(%arg7 : memref<!tpu.dma_semaphore, #tpu.memory_space<semaphore_mem>>) src(%dma_wait3A_587 : memref<1x300xf32, #tpu.memory_space<hbm>>) dst(%dma_wait3A_585 : memref<1x300xf32, #tpu.memory_space<vmem>>)
    %dma_wait3A_588 = arith.constant 20 : i32
    %dma_wait3A_589 = arith.constant 0 : i32
    %dma_wait3A_590 = tpu.memref_slice %arg6[%dma_wait3A_588, %dma_wait3A_589] : memref<32x300xf32, #tpu.memory_space<vmem>> -> memref<1x300xf32, #tpu.memory_space<vmem>>
    %dma_wait3A_591 = arith.constant 0 : i32
    %dma_wait3A_592 = tpu.memref_slice %arg2[%squeeze3A_246, %dma_wait3A_591] : memref<100000x300xf32, #tpu.memory_space<hbm>> -> memref<1x300xf32, #tpu.memory_space<hbm>>
    %dma_wait3A_593 = arith.constant 20 : i32
    %dma_wait3A_594 = arith.constant 0 : i32
    %dma_wait3A_595 = tpu.memref_slice %arg6[%dma_wait3A_593, %dma_wait3A_594] : memref<32x300xf32, #tpu.memory_space<vmem>> -> memref<1x300xf32, #tpu.memory_space<vmem>>
    %dma_wait3A_596 = arith.constant 0 : i32
    %dma_wait3A_597 = tpu.memref_slice %arg2[%squeeze3A_246, %dma_wait3A_596] : memref<100000x300xf32, #tpu.memory_space<hbm>> -> memref<1x300xf32, #tpu.memory_space<hbm>>
    tpu.wait_dma2 semaphore(%arg7 : memref<!tpu.dma_semaphore, #tpu.memory_space<semaphore_mem>>) src(%dma_wait3A_597 : memref<1x300xf32, #tpu.memory_space<hbm>>) dst(%dma_wait3A_595 : memref<1x300xf32, #tpu.memory_space<vmem>>)
    %dma_wait3A_598 = arith.constant 21 : i32
    %dma_wait3A_599 = arith.constant 0 : i32
    %dma_wait3A_600 = tpu.memref_slice %arg6[%dma_wait3A_598, %dma_wait3A_599] : memref<32x300xf32, #tpu.memory_space<vmem>> -> memref<1x300xf32, #tpu.memory_space<vmem>>
    %dma_wait3A_601 = arith.constant 0 : i32
    %dma_wait3A_602 = tpu.memref_slice %arg2[%squeeze3A_258, %dma_wait3A_601] : memref<100000x300xf32, #tpu.memory_space<hbm>> -> memref<1x300xf32, #tpu.memory_space<hbm>>
    %dma_wait3A_603 = arith.constant 21 : i32
    %dma_wait3A_604 = arith.constant 0 : i32
    %dma_wait3A_605 = tpu.memref_slice %arg6[%dma_wait3A_603, %dma_wait3A_604] : memref<32x300xf32, #tpu.memory_space<vmem>> -> memref<1x300xf32, #tpu.memory_space<vmem>>
    %dma_wait3A_606 = arith.constant 0 : i32
    %dma_wait3A_607 = tpu.memref_slice %arg2[%squeeze3A_258, %dma_wait3A_606] : memref<100000x300xf32, #tpu.memory_space<hbm>> -> memref<1x300xf32, #tpu.memory_space<hbm>>
    tpu.wait_dma2 semaphore(%arg7 : memref<!tpu.dma_semaphore, #tpu.memory_space<semaphore_mem>>) src(%dma_wait3A_607 : memref<1x300xf32, #tpu.memory_space<hbm>>) dst(%dma_wait3A_605 : memref<1x300xf32, #tpu.memory_space<vmem>>)
    %dma_wait3A_608 = arith.constant 22 : i32
    %dma_wait3A_609 = arith.constant 0 : i32
    %dma_wait3A_610 = tpu.memref_slice %arg6[%dma_wait3A_608, %dma_wait3A_609] : memref<32x300xf32, #tpu.memory_space<vmem>> -> memref<1x300xf32, #tpu.memory_space<vmem>>
    %dma_wait3A_611 = arith.constant 0 : i32
    %dma_wait3A_612 = tpu.memref_slice %arg2[%squeeze3A_270, %dma_wait3A_611] : memref<100000x300xf32, #tpu.memory_space<hbm>> -> memref<1x300xf32, #tpu.memory_space<hbm>>
    %dma_wait3A_613 = arith.constant 22 : i32
    %dma_wait3A_614 = arith.constant 0 : i32
    %dma_wait3A_615 = tpu.memref_slice %arg6[%dma_wait3A_613, %dma_wait3A_614] : memref<32x300xf32, #tpu.memory_space<vmem>> -> memref<1x300xf32, #tpu.memory_space<vmem>>
    %dma_wait3A_616 = arith.constant 0 : i32
    %dma_wait3A_617 = tpu.memref_slice %arg2[%squeeze3A_270, %dma_wait3A_616] : memref<100000x300xf32, #tpu.memory_space<hbm>> -> memref<1x300xf32, #tpu.memory_space<hbm>>
    tpu.wait_dma2 semaphore(%arg7 : memref<!tpu.dma_semaphore, #tpu.memory_space<semaphore_mem>>) src(%dma_wait3A_617 : memref<1x300xf32, #tpu.memory_space<hbm>>) dst(%dma_wait3A_615 : memref<1x300xf32, #tpu.memory_space<vmem>>)
    %dma_wait3A_618 = arith.constant 23 : i32
    %dma_wait3A_619 = arith.constant 0 : i32
    %dma_wait3A_620 = tpu.memref_slice %arg6[%dma_wait3A_618, %dma_wait3A_619] : memref<32x300xf32, #tpu.memory_space<vmem>> -> memref<1x300xf32, #tpu.memory_space<vmem>>
    %dma_wait3A_621 = arith.constant 0 : i32
    %dma_wait3A_622 = tpu.memref_slice %arg2[%squeeze3A_282, %dma_wait3A_621] : memref<100000x300xf32, #tpu.memory_space<hbm>> -> memref<1x300xf32, #tpu.memory_space<hbm>>
    %dma_wait3A_623 = arith.constant 23 : i32
    %dma_wait3A_624 = arith.constant 0 : i32
    %dma_wait3A_625 = tpu.memref_slice %arg6[%dma_wait3A_623, %dma_wait3A_624] : memref<32x300xf32, #tpu.memory_space<vmem>> -> memref<1x300xf32, #tpu.memory_space<vmem>>
    %dma_wait3A_626 = arith.constant 0 : i32
    %dma_wait3A_627 = tpu.memref_slice %arg2[%squeeze3A_282, %dma_wait3A_626] : memref<100000x300xf32, #tpu.memory_space<hbm>> -> memref<1x300xf32, #tpu.memory_space<hbm>>
    tpu.wait_dma2 semaphore(%arg7 : memref<!tpu.dma_semaphore, #tpu.memory_space<semaphore_mem>>) src(%dma_wait3A_627 : memref<1x300xf32, #tpu.memory_space<hbm>>) dst(%dma_wait3A_625 : memref<1x300xf32, #tpu.memory_space<vmem>>)
    %dma_wait3A_628 = arith.constant 24 : i32
    %dma_wait3A_629 = arith.constant 0 : i32
    %dma_wait3A_630 = tpu.memref_slice %arg6[%dma_wait3A_628, %dma_wait3A_629] : memref<32x300xf32, #tpu.memory_space<vmem>> -> memref<1x300xf32, #tpu.memory_space<vmem>>
    %dma_wait3A_631 = arith.constant 0 : i32
    %dma_wait3A_632 = tpu.memref_slice %arg2[%squeeze3A_294, %dma_wait3A_631] : memref<100000x300xf32, #tpu.memory_space<hbm>> -> memref<1x300xf32, #tpu.memory_space<hbm>>
    %dma_wait3A_633 = arith.constant 24 : i32
    %dma_wait3A_634 = arith.constant 0 : i32
    %dma_wait3A_635 = tpu.memref_slice %arg6[%dma_wait3A_633, %dma_wait3A_634] : memref<32x300xf32, #tpu.memory_space<vmem>> -> memref<1x300xf32, #tpu.memory_space<vmem>>
    %dma_wait3A_636 = arith.constant 0 : i32
    %dma_wait3A_637 = tpu.memref_slice %arg2[%squeeze3A_294, %dma_wait3A_636] : memref<100000x300xf32, #tpu.memory_space<hbm>> -> memref<1x300xf32, #tpu.memory_space<hbm>>
    tpu.wait_dma2 semaphore(%arg7 : memref<!tpu.dma_semaphore, #tpu.memory_space<semaphore_mem>>) src(%dma_wait3A_637 : memref<1x300xf32, #tpu.memory_space<hbm>>) dst(%dma_wait3A_635 : memref<1x300xf32, #tpu.memory_space<vmem>>)
    %dma_wait3A_638 = arith.constant 25 : i32
    %dma_wait3A_639 = arith.constant 0 : i32
    %dma_wait3A_640 = tpu.memref_slice %arg6[%dma_wait3A_638, %dma_wait3A_639] : memref<32x300xf32, #tpu.memory_space<vmem>> -> memref<1x300xf32, #tpu.memory_space<vmem>>
    %dma_wait3A_641 = arith.constant 0 : i32
    %dma_wait3A_642 = tpu.memref_slice %arg2[%squeeze3A_306, %dma_wait3A_641] : memref<100000x300xf32, #tpu.memory_space<hbm>> -> memref<1x300xf32, #tpu.memory_space<hbm>>
    %dma_wait3A_643 = arith.constant 25 : i32
    %dma_wait3A_644 = arith.constant 0 : i32
    %dma_wait3A_645 = tpu.memref_slice %arg6[%dma_wait3A_643, %dma_wait3A_644] : memref<32x300xf32, #tpu.memory_space<vmem>> -> memref<1x300xf32, #tpu.memory_space<vmem>>
    %dma_wait3A_646 = arith.constant 0 : i32
    %dma_wait3A_647 = tpu.memref_slice %arg2[%squeeze3A_306, %dma_wait3A_646] : memref<100000x300xf32, #tpu.memory_space<hbm>> -> memref<1x300xf32, #tpu.memory_space<hbm>>
    tpu.wait_dma2 semaphore(%arg7 : memref<!tpu.dma_semaphore, #tpu.memory_space<semaphore_mem>>) src(%dma_wait3A_647 : memref<1x300xf32, #tpu.memory_space<hbm>>) dst(%dma_wait3A_645 : memref<1x300xf32, #tpu.memory_space<vmem>>)
    %dma_wait3A_648 = arith.constant 26 : i32
    %dma_wait3A_649 = arith.constant 0 : i32
    %dma_wait3A_650 = tpu.memref_slice %arg6[%dma_wait3A_648, %dma_wait3A_649] : memref<32x300xf32, #tpu.memory_space<vmem>> -> memref<1x300xf32, #tpu.memory_space<vmem>>
    %dma_wait3A_651 = arith.constant 0 : i32
    %dma_wait3A_652 = tpu.memref_slice %arg2[%squeeze3A_318, %dma_wait3A_651] : memref<100000x300xf32, #tpu.memory_space<hbm>> -> memref<1x300xf32, #tpu.memory_space<hbm>>
    %dma_wait3A_653 = arith.constant 26 : i32
    %dma_wait3A_654 = arith.constant 0 : i32
    %dma_wait3A_655 = tpu.memref_slice %arg6[%dma_wait3A_653, %dma_wait3A_654] : memref<32x300xf32, #tpu.memory_space<vmem>> -> memref<1x300xf32, #tpu.memory_space<vmem>>
    %dma_wait3A_656 = arith.constant 0 : i32
    %dma_wait3A_657 = tpu.memref_slice %arg2[%squeeze3A_318, %dma_wait3A_656] : memref<100000x300xf32, #tpu.memory_space<hbm>> -> memref<1x300xf32, #tpu.memory_space<hbm>>
    tpu.wait_dma2 semaphore(%arg7 : memref<!tpu.dma_semaphore, #tpu.memory_space<semaphore_mem>>) src(%dma_wait3A_657 : memref<1x300xf32, #tpu.memory_space<hbm>>) dst(%dma_wait3A_655 : memref<1x300xf32, #tpu.memory_space<vmem>>)
    %dma_wait3A_658 = arith.constant 27 : i32
    %dma_wait3A_659 = arith.constant 0 : i32
    %dma_wait3A_660 = tpu.memref_slice %arg6[%dma_wait3A_658, %dma_wait3A_659] : memref<32x300xf32, #tpu.memory_space<vmem>> -> memref<1x300xf32, #tpu.memory_space<vmem>>
    %dma_wait3A_661 = arith.constant 0 : i32
    %dma_wait3A_662 = tpu.memref_slice %arg2[%squeeze3A_330, %dma_wait3A_661] : memref<100000x300xf32, #tpu.memory_space<hbm>> -> memref<1x300xf32, #tpu.memory_space<hbm>>
    %dma_wait3A_663 = arith.constant 27 : i32
    %dma_wait3A_664 = arith.constant 0 : i32
    %dma_wait3A_665 = tpu.memref_slice %arg6[%dma_wait3A_663, %dma_wait3A_664] : memref<32x300xf32, #tpu.memory_space<vmem>> -> memref<1x300xf32, #tpu.memory_space<vmem>>
    %dma_wait3A_666 = arith.constant 0 : i32
    %dma_wait3A_667 = tpu.memref_slice %arg2[%squeeze3A_330, %dma_wait3A_666] : memref<100000x300xf32, #tpu.memory_space<hbm>> -> memref<1x300xf32, #tpu.memory_space<hbm>>
    tpu.wait_dma2 semaphore(%arg7 : memref<!tpu.dma_semaphore, #tpu.memory_space<semaphore_mem>>) src(%dma_wait3A_667 : memref<1x300xf32, #tpu.memory_space<hbm>>) dst(%dma_wait3A_665 : memref<1x300xf32, #tpu.memory_space<vmem>>)
    %dma_wait3A_668 = arith.constant 28 : i32
    %dma_wait3A_669 = arith.constant 0 : i32
    %dma_wait3A_670 = tpu.memref_slice %arg6[%dma_wait3A_668, %dma_wait3A_669] : memref<32x300xf32, #tpu.memory_space<vmem>> -> memref<1x300xf32, #tpu.memory_space<vmem>>
    %dma_wait3A_671 = arith.constant 0 : i32
    %dma_wait3A_672 = tpu.memref_slice %arg2[%squeeze3A_342, %dma_wait3A_671] : memref<100000x300xf32, #tpu.memory_space<hbm>> -> memref<1x300xf32, #tpu.memory_space<hbm>>
    %dma_wait3A_673 = arith.constant 28 : i32
    %dma_wait3A_674 = arith.constant 0 : i32
    %dma_wait3A_675 = tpu.memref_slice %arg6[%dma_wait3A_673, %dma_wait3A_674] : memref<32x300xf32, #tpu.memory_space<vmem>> -> memref<1x300xf32, #tpu.memory_space<vmem>>
    %dma_wait3A_676 = arith.constant 0 : i32
    %dma_wait3A_677 = tpu.memref_slice %arg2[%squeeze3A_342, %dma_wait3A_676] : memref<100000x300xf32, #tpu.memory_space<hbm>> -> memref<1x300xf32, #tpu.memory_space<hbm>>
    tpu.wait_dma2 semaphore(%arg7 : memref<!tpu.dma_semaphore, #tpu.memory_space<semaphore_mem>>) src(%dma_wait3A_677 : memref<1x300xf32, #tpu.memory_space<hbm>>) dst(%dma_wait3A_675 : memref<1x300xf32, #tpu.memory_space<vmem>>)
    %dma_wait3A_678 = arith.constant 29 : i32
    %dma_wait3A_679 = arith.constant 0 : i32
    %dma_wait3A_680 = tpu.memref_slice %arg6[%dma_wait3A_678, %dma_wait3A_679] : memref<32x300xf32, #tpu.memory_space<vmem>> -> memref<1x300xf32, #tpu.memory_space<vmem>>
    %dma_wait3A_681 = arith.constant 0 : i32
    %dma_wait3A_682 = tpu.memref_slice %arg2[%squeeze3A_354, %dma_wait3A_681] : memref<100000x300xf32, #tpu.memory_space<hbm>> -> memref<1x300xf32, #tpu.memory_space<hbm>>
    %dma_wait3A_683 = arith.constant 29 : i32
    %dma_wait3A_684 = arith.constant 0 : i32
    %dma_wait3A_685 = tpu.memref_slice %arg6[%dma_wait3A_683, %dma_wait3A_684] : memref<32x300xf32, #tpu.memory_space<vmem>> -> memref<1x300xf32, #tpu.memory_space<vmem>>
    %dma_wait3A_686 = arith.constant 0 : i32
    %dma_wait3A_687 = tpu.memref_slice %arg2[%squeeze3A_354, %dma_wait3A_686] : memref<100000x300xf32, #tpu.memory_space<hbm>> -> memref<1x300xf32, #tpu.memory_space<hbm>>
    tpu.wait_dma2 semaphore(%arg7 : memref<!tpu.dma_semaphore, #tpu.memory_space<semaphore_mem>>) src(%dma_wait3A_687 : memref<1x300xf32, #tpu.memory_space<hbm>>) dst(%dma_wait3A_685 : memref<1x300xf32, #tpu.memory_space<vmem>>)
    %dma_wait3A_688 = arith.constant 30 : i32
    %dma_wait3A_689 = arith.constant 0 : i32
    %dma_wait3A_690 = tpu.memref_slice %arg6[%dma_wait3A_688, %dma_wait3A_689] : memref<32x300xf32, #tpu.memory_space<vmem>> -> memref<1x300xf32, #tpu.memory_space<vmem>>
    %dma_wait3A_691 = arith.constant 0 : i32
    %dma_wait3A_692 = tpu.memref_slice %arg2[%squeeze3A_366, %dma_wait3A_691] : memref<100000x300xf32, #tpu.memory_space<hbm>> -> memref<1x300xf32, #tpu.memory_space<hbm>>
    %dma_wait3A_693 = arith.constant 30 : i32
    %dma_wait3A_694 = arith.constant 0 : i32
    %dma_wait3A_695 = tpu.memref_slice %arg6[%dma_wait3A_693, %dma_wait3A_694] : memref<32x300xf32, #tpu.memory_space<vmem>> -> memref<1x300xf32, #tpu.memory_space<vmem>>
    %dma_wait3A_696 = arith.constant 0 : i32
    %dma_wait3A_697 = tpu.memref_slice %arg2[%squeeze3A_366, %dma_wait3A_696] : memref<100000x300xf32, #tpu.memory_space<hbm>> -> memref<1x300xf32, #tpu.memory_space<hbm>>
    tpu.wait_dma2 semaphore(%arg7 : memref<!tpu.dma_semaphore, #tpu.memory_space<semaphore_mem>>) src(%dma_wait3A_697 : memref<1x300xf32, #tpu.memory_space<hbm>>) dst(%dma_wait3A_695 : memref<1x300xf32, #tpu.memory_space<vmem>>)
    %dma_wait3A_698 = arith.constant 31 : i32
    %dma_wait3A_699 = arith.constant 0 : i32
    %dma_wait3A_700 = tpu.memref_slice %arg6[%dma_wait3A_698, %dma_wait3A_699] : memref<32x300xf32, #tpu.memory_space<vmem>> -> memref<1x300xf32, #tpu.memory_space<vmem>>
    %dma_wait3A_701 = arith.constant 0 : i32
    %dma_wait3A_702 = tpu.memref_slice %arg2[%squeeze3A_378, %dma_wait3A_701] : memref<100000x300xf32, #tpu.memory_space<hbm>> -> memref<1x300xf32, #tpu.memory_space<hbm>>
    %dma_wait3A_703 = arith.constant 31 : i32
    %dma_wait3A_704 = arith.constant 0 : i32
    %dma_wait3A_705 = tpu.memref_slice %arg6[%dma_wait3A_703, %dma_wait3A_704] : memref<32x300xf32, #tpu.memory_space<vmem>> -> memref<1x300xf32, #tpu.memory_space<vmem>>
    %dma_wait3A_706 = arith.constant 0 : i32
    %dma_wait3A_707 = tpu.memref_slice %arg2[%squeeze3A_378, %dma_wait3A_706] : memref<100000x300xf32, #tpu.memory_space<hbm>> -> memref<1x300xf32, #tpu.memory_space<hbm>>
    tpu.wait_dma2 semaphore(%arg7 : memref<!tpu.dma_semaphore, #tpu.memory_space<semaphore_mem>>) src(%dma_wait3A_707 : memref<1x300xf32, #tpu.memory_space<hbm>>) dst(%dma_wait3A_705 : memref<1x300xf32, #tpu.memory_space<vmem>>)
    "tpu.region"() ({
      %run_scoped3A = tpu.sem_alloc : memref<!tpu.dma_semaphore, #tpu.memory_space<semaphore_mem>>
      %dma_start3A_708 = arith.constant 0 : i32
      %dma_start3A_709 = tpu.memref_slice %arg4[%mul3A_2, %dma_start3A_708] : memref<1024x300xf32, #tpu.memory_space<hbm>> -> memref<32x300xf32, #tpu.memory_space<hbm>>
      %dma_start3A_710 = arith.constant 0 : i32
      %dma_start3A_711 = tpu.memref_slice %arg4[%mul3A_2, %dma_start3A_710] : memref<1024x300xf32, #tpu.memory_space<hbm>> -> memref<32x300xf32, #tpu.memory_space<hbm>>
      tpu.enqueue_dma source(%arg6 : memref<32x300xf32, #tpu.memory_space<vmem>>) target(%dma_start3A_711 : memref<32x300xf32, #tpu.memory_space<hbm>>) target_semaphore(%run_scoped3A : memref<!tpu.dma_semaphore, #tpu.memory_space<semaphore_mem>>)
      %dma_wait3A_712 = arith.constant 0 : i32
      %dma_wait3A_713 = tpu.memref_slice %arg4[%mul3A_2, %dma_wait3A_712] : memref<1024x300xf32, #tpu.memory_space<hbm>> -> memref<32x300xf32, #tpu.memory_space<hbm>>
      %dma_wait3A_714 = arith.constant 0 : i32
      %dma_wait3A_715 = tpu.memref_slice %arg4[%mul3A_2, %dma_wait3A_714] : memref<1024x300xf32, #tpu.memory_space<hbm>> -> memref<32x300xf32, #tpu.memory_space<hbm>>
      tpu.wait_dma2 semaphore(%run_scoped3A : memref<!tpu.dma_semaphore, #tpu.memory_space<semaphore_mem>>) src(%arg6 : memref<32x300xf32, #tpu.memory_space<vmem>>) dst(%dma_wait3A_715 : memref<32x300xf32, #tpu.memory_space<hbm>>)
      tpu.yield
    }) : () -> ()
    return
  }
}

module attributes {stable_mosaic.version = 14 : i64} {
  func.func @_tc_body(%arg0: memref<1024x300xf32, #tpu.memory_space<vmem>>, %arg1: memref<300x1024xf32, #tpu.memory_space<vmem>>, %arg2: memref<1x1024xf32, #tpu.memory_space<vmem>>, %arg3: memref<152x1024xbf16, #tpu.memory_space<vmem>>, %arg4: memref<256x150xf32, #tpu.memory_space<vmem>>, %arg5: memref<256x150xf32, #tpu.memory_space<vmem>>, %arg6: memref<1x150xf32, #tpu.memory_space<vmem>>, %arg7: memref<150x50xf32, #tpu.memory_space<vmem>>, %arg8: memref<150x50xf32, #tpu.memory_space<vmem>>, %arg9: memref<1x50xf32, #tpu.memory_space<vmem>>, %arg10: memref<50x5xf32, #tpu.memory_space<vmem>>, %arg11: memref<1x5xf32, #tpu.memory_space<vmem>>, %arg12: memref<1x5xf32, #tpu.memory_space<vmem>>, %arg13: memref<1024x1024xf32, #tpu.memory_space<vmem>>, %arg14: memref<512x2x256xf32, #tpu.memory_space<vmem>>) attributes {dimension_semantics = [], scalar_prefetch = 0 : i64, scratch_operands = 2 : i64, tpu.core_type = #tpu.core_type<tc>} {
    %get3A = arith.constant 0 : index
    %get3A_0 = arith.constant 0 : index
    %get3A_1 = vector.load %arg0[%get3A, %get3A_0] : memref<1024x300xf32, #tpu.memory_space<vmem>>, vector<1024x300xf32>
    %get3A_2 = arith.constant 0 : index
    %get3A_3 = arith.constant 0 : index
    %get3A_4 = vector.load %arg1[%get3A_2, %get3A_3] : memref<300x1024xf32, #tpu.memory_space<vmem>>, vector<300x1024xf32>
    %dot_general3A = arith.constant dense<0.000000e+00> : vector<1024x1024xf32>
    %dot_general3A_5 = tpu.matmul %get3A_1, %get3A_4, %dot_general3A {dimension_numbers = #tpu.dot_dimension_numbers<[1], [0], [0], [1], [0, 0, 1, 1], [], []>, transpose_lhs_hint = false} : vector<1024x300xf32>, vector<300x1024xf32>, vector<1024x1024xf32> -> vector<1024x1024xf32>
    %get3A_6 = arith.constant 0 : index
    %get3A_7 = arith.constant 0 : index
    %get3A_8 = vector.load %arg2[%get3A_6, %get3A_7] : memref<1x1024xf32, #tpu.memory_space<vmem>>, vector<1x1024xf32>
    %add3A = vector.broadcast %get3A_8 : vector<1x1024xf32> to vector<1024x1024xf32>
    %add3A_9 = arith.addf %dot_general3A_5, %add3A : vector<1024x1024xf32>
    %swap3A = arith.constant 0 : index
    %swap3A_10 = arith.constant 0 : index
    %swap3A_11 = vector.load %arg13[%swap3A, %swap3A_10] : memref<1024x1024xf32, #tpu.memory_space<vmem>>, vector<1024x1024xf32>
    tpu.vector_store %arg13[%swap3A, %swap3A_10], %add3A_9 {strides = array<i32>} : memref<1024x1024xf32, #tpu.memory_space<vmem>>, vector<1024x1024xf32>,
    %broadcast_in_dim3A = arith.constant 0.000000e+00 : f32
    %broadcast_in_dim3A_12 = vector.broadcast %broadcast_in_dim3A : f32 to vector<2x256xf32>
    %scan3A = arith.constant 0 : i32
    %scan3A_13 = arith.constant 128 : i32
    %scan3A_14 = arith.addi %scan3A, %scan3A_13 : i32
    %scan3A_15 = arith.constant 1 : i32
    %scan3A_16:2 = scf.for %scan3A_165 = %scan3A to %scan3A_14 step %scan3A_15 iter_args(%scan3A_166 = %broadcast_in_dim3A_12, %scan3A_167 = %broadcast_in_dim3A_12) -> (vector<2x256xf32>, vector<2x256xf32>)  : i32 {
      %sub3A_168 = arith.constant 127 : i32
      %sub3A_169 = arith.subi %sub3A_168, %scan3A_165 : i32
      %mul3A_170 = arith.constant 8 : i32
      %mul3A_171 = arith.muli %mul3A_170, %sub3A_169 : i32
      %multiple_of3A = tpu.assume_multiple %mul3A_171, 8 : i32
      %add3A_172 = arith.constant 6 : i32
      %add3A_173 = arith.addi %multiple_of3A, %add3A_172 : i32
      %get3A_174 = arith.index_cast %add3A_173 : i32 to index
      %get3A_175 = arith.constant 0 : index
      %get3A_176 = vector.load %arg13[%get3A_174, %get3A_175] : memref<1024x1024xf32, #tpu.memory_space<vmem>>, vector<1x1024xf32>
      %add3A_177 = arith.constant 6 : i32
      %add3A_178 = arith.addi %multiple_of3A, %add3A_177 : i32
      %add3A_179 = arith.constant 1 : i32
      %add3A_180 = arith.addi %add3A_178, %add3A_179 : i32
      %get3A_181 = arith.index_cast %add3A_180 : i32 to index
      %get3A_182 = arith.constant 0 : index
      %get3A_183 = vector.load %arg13[%get3A_181, %get3A_182] : memref<1024x1024xf32, #tpu.memory_space<vmem>>, vector<1x1024xf32>
      %concatenate3A = tpu.concatenate %get3A_176, %get3A_183 in 0 : vector<1x1024xf32>, vector<1x1024xf32> -> vector<2x1024xf32>
      %slice3A_184 = vector.extract_strided_slice %scan3A_167 {offsets = [0, 0], sizes = [2, 152], strides = [1, 1]} : vector<2x256xf32> to vector<2x152xf32>
      %convert_element_type3A = arith.truncf %slice3A_184 : vector<2x152xf32> to vector<2x152xbf16>
      %get3A_185 = arith.constant 0 : index
      %get3A_186 = arith.constant 0 : index
      %get3A_187 = vector.load %arg3[%get3A_185, %get3A_186] : memref<152x1024xbf16, #tpu.memory_space<vmem>>, vector<152x1024xbf16>
      %dot_general3A_188 = arith.constant dense<0.000000e+00> : vector<2x1024xf32>
      %dot_general3A_189 = tpu.matmul %convert_element_type3A, %get3A_187, %dot_general3A_188 {dimension_numbers = #tpu.dot_dimension_numbers<[1], [0], [0], [1], [0, 0, 1, 1], [], []>, transpose_lhs_hint = false} : vector<2x152xbf16>, vector<152x1024xbf16>, vector<2x1024xf32> -> vector<2x1024xf32>
      %add3A_190 = arith.addf %concatenate3A, %dot_general3A_189 : vector<2x1024xf32>
      %slice3A_191 = vector.extract_strided_slice %add3A_190 {offsets = [0, 0], sizes = [2, 256], strides = [1, 1]} : vector<2x1024xf32> to vector<2x256xf32>
      %logistic3A_192 = arith.negf %slice3A_191 : vector<2x256xf32>
      %logistic3A_193 = math.exp %logistic3A_192 : vector<2x256xf32>
      %logistic3A_194 = arith.constant 1.000000e+00 : f32
      %logistic3A_195 = vector.broadcast %logistic3A_194 : f32 to vector<2x256xf32>
      %logistic3A_196 = arith.addf %logistic3A_195, %logistic3A_193 : vector<2x256xf32>
      %logistic3A_197 = arith.divf %logistic3A_195, %logistic3A_196 : vector<2x256xf32>
      %slice3A_198 = vector.extract_strided_slice %add3A_190 {offsets = [0, 256], sizes = [2, 256], strides = [1, 1]} : vector<2x1024xf32> to vector<2x256xf32>
      %logistic3A_199 = arith.negf %slice3A_198 : vector<2x256xf32>
      %logistic3A_200 = math.exp %logistic3A_199 : vector<2x256xf32>
      %logistic3A_201 = arith.constant 1.000000e+00 : f32
      %logistic3A_202 = vector.broadcast %logistic3A_201 : f32 to vector<2x256xf32>
      %logistic3A_203 = arith.addf %logistic3A_202, %logistic3A_200 : vector<2x256xf32>
      %logistic3A_204 = arith.divf %logistic3A_202, %logistic3A_203 : vector<2x256xf32>
      %slice3A_205 = vector.extract_strided_slice %add3A_190 {offsets = [0, 512], sizes = [2, 256], strides = [1, 1]} : vector<2x1024xf32> to vector<2x256xf32>
      %tanh3A = math.tanh %slice3A_205 : vector<2x256xf32>
      %slice3A_206 = vector.extract_strided_slice %add3A_190 {offsets = [0, 768], sizes = [2, 256], strides = [1, 1]} : vector<2x1024xf32> to vector<2x256xf32>
      %logistic3A_207 = arith.negf %slice3A_206 : vector<2x256xf32>
      %logistic3A_208 = math.exp %logistic3A_207 : vector<2x256xf32>
      %logistic3A_209 = arith.constant 1.000000e+00 : f32
      %logistic3A_210 = vector.broadcast %logistic3A_209 : f32 to vector<2x256xf32>
      %logistic3A_211 = arith.addf %logistic3A_210, %logistic3A_208 : vector<2x256xf32>
      %logistic3A_212 = arith.divf %logistic3A_210, %logistic3A_211 : vector<2x256xf32>
      %mul3A_213 = arith.mulf %logistic3A_197, %tanh3A : vector<2x256xf32>
      %mul3A_214 = arith.mulf %logistic3A_212, %scan3A_166 : vector<2x256xf32>
      %add3A_215 = arith.addf %mul3A_213, %mul3A_214 : vector<2x256xf32>
      %tanh3A_216 = math.tanh %add3A_215 : vector<2x256xf32>
      %mul3A_217 = arith.mulf %logistic3A_204, %tanh3A_216 : vector<2x256xf32>
      %broadcast_in_dim3A_218 = vector.shape_cast %mul3A_217 : vector<2x256xf32> to vector<1x2x256xf32>
      %mul3A_219 = arith.constant 4 : i32
      %mul3A_220 = arith.muli %mul3A_219, %sub3A_169 : i32
      %add3A_221 = arith.constant 3 : i32
      %add3A_222 = arith.addi %mul3A_220, %add3A_221 : i32
      %swap3A_223 = arith.index_cast %add3A_222 : i32 to index
      %swap3A_224 = arith.constant 0 : index
      %swap3A_225 = arith.constant 0 : index
      %swap3A_226 = vector.load %arg14[%swap3A_223, %swap3A_224, %swap3A_225] : memref<512x2x256xf32, #tpu.memory_space<vmem>>, vector<1x2x256xf32>
      tpu.vector_store %arg14[%swap3A_223, %swap3A_224, %swap3A_225], %broadcast_in_dim3A_218 {strides = array<i32>} : memref<512x2x256xf32, #tpu.memory_space<vmem>>, vector<1x2x256xf32>,
      %add3A_227 = arith.constant 4 : i32
      %add3A_228 = arith.addi %multiple_of3A, %add3A_227 : i32
      %get3A_229 = arith.index_cast %add3A_228 : i32 to index
      %get3A_230 = arith.constant 0 : index
      %get3A_231 = vector.load %arg13[%get3A_229, %get3A_230] : memref<1024x1024xf32, #tpu.memory_space<vmem>>, vector<1x1024xf32>
      %add3A_232 = arith.constant 4 : i32
      %add3A_233 = arith.addi %multiple_of3A, %add3A_232 : i32
      %add3A_234 = arith.constant 1 : i32
      %add3A_235 = arith.addi %add3A_233, %add3A_234 : i32
      %get3A_236 = arith.index_cast %add3A_235 : i32 to index
      %get3A_237 = arith.constant 0 : index
      %get3A_238 = vector.load %arg13[%get3A_236, %get3A_237] : memref<1024x1024xf32, #tpu.memory_space<vmem>>, vector<1x1024xf32>
      %concatenate3A_239 = tpu.concatenate %get3A_231, %get3A_238 in 0 : vector<1x1024xf32>, vector<1x1024xf32> -> vector<2x1024xf32>
      %slice3A_240 = vector.extract_strided_slice %mul3A_217 {offsets = [0, 0], sizes = [2, 152], strides = [1, 1]} : vector<2x256xf32> to vector<2x152xf32>
      %convert_element_type3A_241 = arith.truncf %slice3A_240 : vector<2x152xf32> to vector<2x152xbf16>
      %get3A_242 = arith.constant 0 : index
      %get3A_243 = arith.constant 0 : index
      %get3A_244 = vector.load %arg3[%get3A_242, %get3A_243] : memref<152x1024xbf16, #tpu.memory_space<vmem>>, vector<152x1024xbf16>
      %dot_general3A_245 = arith.constant dense<0.000000e+00> : vector<2x1024xf32>
      %dot_general3A_246 = tpu.matmul %convert_element_type3A_241, %get3A_244, %dot_general3A_245 {dimension_numbers = #tpu.dot_dimension_numbers<[1], [0], [0], [1], [0, 0, 1, 1], [], []>, transpose_lhs_hint = false} : vector<2x152xbf16>, vector<152x1024xbf16>, vector<2x1024xf32> -> vector<2x1024xf32>
      %add3A_247 = arith.addf %concatenate3A_239, %dot_general3A_246 : vector<2x1024xf32>
      %slice3A_248 = vector.extract_strided_slice %add3A_247 {offsets = [0, 0], sizes = [2, 256], strides = [1, 1]} : vector<2x1024xf32> to vector<2x256xf32>
      %logistic3A_249 = arith.negf %slice3A_248 : vector<2x256xf32>
      %logistic3A_250 = math.exp %logistic3A_249 : vector<2x256xf32>
      %logistic3A_251 = arith.constant 1.000000e+00 : f32
      %logistic3A_252 = vector.broadcast %logistic3A_251 : f32 to vector<2x256xf32>
      %logistic3A_253 = arith.addf %logistic3A_252, %logistic3A_250 : vector<2x256xf32>
      %logistic3A_254 = arith.divf %logistic3A_252, %logistic3A_253 : vector<2x256xf32>
      %slice3A_255 = vector.extract_strided_slice %add3A_247 {offsets = [0, 256], sizes = [2, 256], strides = [1, 1]} : vector<2x1024xf32> to vector<2x256xf32>
      %logistic3A_256 = arith.negf %slice3A_255 : vector<2x256xf32>
      %logistic3A_257 = math.exp %logistic3A_256 : vector<2x256xf32>
      %logistic3A_258 = arith.constant 1.000000e+00 : f32
      %logistic3A_259 = vector.broadcast %logistic3A_258 : f32 to vector<2x256xf32>
      %logistic3A_260 = arith.addf %logistic3A_259, %logistic3A_257 : vector<2x256xf32>
      %logistic3A_261 = arith.divf %logistic3A_259, %logistic3A_260 : vector<2x256xf32>
      %slice3A_262 = vector.extract_strided_slice %add3A_247 {offsets = [0, 512], sizes = [2, 256], strides = [1, 1]} : vector<2x1024xf32> to vector<2x256xf32>
      %tanh3A_263 = math.tanh %slice3A_262 : vector<2x256xf32>
      %slice3A_264 = vector.extract_strided_slice %add3A_247 {offsets = [0, 768], sizes = [2, 256], strides = [1, 1]} : vector<2x1024xf32> to vector<2x256xf32>
      %logistic3A_265 = arith.negf %slice3A_264 : vector<2x256xf32>
      %logistic3A_266 = math.exp %logistic3A_265 : vector<2x256xf32>
      %logistic3A_267 = arith.constant 1.000000e+00 : f32
      %logistic3A_268 = vector.broadcast %logistic3A_267 : f32 to vector<2x256xf32>
      %logistic3A_269 = arith.addf %logistic3A_268, %logistic3A_266 : vector<2x256xf32>
      %logistic3A_270 = arith.divf %logistic3A_268, %logistic3A_269 : vector<2x256xf32>
      %mul3A_271 = arith.mulf %logistic3A_254, %tanh3A_263 : vector<2x256xf32>
      %mul3A_272 = arith.mulf %logistic3A_270, %add3A_215 : vector<2x256xf32>
      %add3A_273 = arith.addf %mul3A_271, %mul3A_272 : vector<2x256xf32>
      %tanh3A_274 = math.tanh %add3A_273 : vector<2x256xf32>
      %mul3A_275 = arith.mulf %logistic3A_261, %tanh3A_274 : vector<2x256xf32>
      %broadcast_in_dim3A_276 = vector.shape_cast %mul3A_275 : vector<2x256xf32> to vector<1x2x256xf32>
      %mul3A_277 = arith.constant 4 : i32
      %mul3A_278 = arith.muli %mul3A_277, %sub3A_169 : i32
      %add3A_279 = arith.constant 2 : i32
      %add3A_280 = arith.addi %mul3A_278, %add3A_279 : i32
      %swap3A_281 = arith.index_cast %add3A_280 : i32 to index
      %swap3A_282 = arith.constant 0 : index
      %swap3A_283 = arith.constant 0 : index
      %swap3A_284 = vector.load %arg14[%swap3A_281, %swap3A_282, %swap3A_283] : memref<512x2x256xf32, #tpu.memory_space<vmem>>, vector<1x2x256xf32>
      tpu.vector_store %arg14[%swap3A_281, %swap3A_282, %swap3A_283], %broadcast_in_dim3A_276 {strides = array<i32>} : memref<512x2x256xf32, #tpu.memory_space<vmem>>, vector<1x2x256xf32>,
      %add3A_285 = arith.constant 2 : i32
      %add3A_286 = arith.addi %multiple_of3A, %add3A_285 : i32
      %get3A_287 = arith.index_cast %add3A_286 : i32 to index
      %get3A_288 = arith.constant 0 : index
      %get3A_289 = vector.load %arg13[%get3A_287, %get3A_288] : memref<1024x1024xf32, #tpu.memory_space<vmem>>, vector<1x1024xf32>
      %add3A_290 = arith.constant 2 : i32
      %add3A_291 = arith.addi %multiple_of3A, %add3A_290 : i32
      %add3A_292 = arith.constant 1 : i32
      %add3A_293 = arith.addi %add3A_291, %add3A_292 : i32
      %get3A_294 = arith.index_cast %add3A_293 : i32 to index
      %get3A_295 = arith.constant 0 : index
      %get3A_296 = vector.load %arg13[%get3A_294, %get3A_295] : memref<1024x1024xf32, #tpu.memory_space<vmem>>, vector<1x1024xf32>
      %concatenate3A_297 = tpu.concatenate %get3A_289, %get3A_296 in 0 : vector<1x1024xf32>, vector<1x1024xf32> -> vector<2x1024xf32>
      %slice3A_298 = vector.extract_strided_slice %mul3A_275 {offsets = [0, 0], sizes = [2, 152], strides = [1, 1]} : vector<2x256xf32> to vector<2x152xf32>
      %convert_element_type3A_299 = arith.truncf %slice3A_298 : vector<2x152xf32> to vector<2x152xbf16>
      %get3A_300 = arith.constant 0 : index
      %get3A_301 = arith.constant 0 : index
      %get3A_302 = vector.load %arg3[%get3A_300, %get3A_301] : memref<152x1024xbf16, #tpu.memory_space<vmem>>, vector<152x1024xbf16>
      %dot_general3A_303 = arith.constant dense<0.000000e+00> : vector<2x1024xf32>
      %dot_general3A_304 = tpu.matmul %convert_element_type3A_299, %get3A_302, %dot_general3A_303 {dimension_numbers = #tpu.dot_dimension_numbers<[1], [0], [0], [1], [0, 0, 1, 1], [], []>, transpose_lhs_hint = false} : vector<2x152xbf16>, vector<152x1024xbf16>, vector<2x1024xf32> -> vector<2x1024xf32>
      %add3A_305 = arith.addf %concatenate3A_297, %dot_general3A_304 : vector<2x1024xf32>
      %slice3A_306 = vector.extract_strided_slice %add3A_305 {offsets = [0, 0], sizes = [2, 256], strides = [1, 1]} : vector<2x1024xf32> to vector<2x256xf32>
      %logistic3A_307 = arith.negf %slice3A_306 : vector<2x256xf32>
      %logistic3A_308 = math.exp %logistic3A_307 : vector<2x256xf32>
      %logistic3A_309 = arith.constant 1.000000e+00 : f32
      %logistic3A_310 = vector.broadcast %logistic3A_309 : f32 to vector<2x256xf32>
      %logistic3A_311 = arith.addf %logistic3A_310, %logistic3A_308 : vector<2x256xf32>
      %logistic3A_312 = arith.divf %logistic3A_310, %logistic3A_311 : vector<2x256xf32>
      %slice3A_313 = vector.extract_strided_slice %add3A_305 {offsets = [0, 256], sizes = [2, 256], strides = [1, 1]} : vector<2x1024xf32> to vector<2x256xf32>
      %logistic3A_314 = arith.negf %slice3A_313 : vector<2x256xf32>
      %logistic3A_315 = math.exp %logistic3A_314 : vector<2x256xf32>
      %logistic3A_316 = arith.constant 1.000000e+00 : f32
      %logistic3A_317 = vector.broadcast %logistic3A_316 : f32 to vector<2x256xf32>
      %logistic3A_318 = arith.addf %logistic3A_317, %logistic3A_315 : vector<2x256xf32>
      %logistic3A_319 = arith.divf %logistic3A_317, %logistic3A_318 : vector<2x256xf32>
      %slice3A_320 = vector.extract_strided_slice %add3A_305 {offsets = [0, 512], sizes = [2, 256], strides = [1, 1]} : vector<2x1024xf32> to vector<2x256xf32>
      %tanh3A_321 = math.tanh %slice3A_320 : vector<2x256xf32>
      %slice3A_322 = vector.extract_strided_slice %add3A_305 {offsets = [0, 768], sizes = [2, 256], strides = [1, 1]} : vector<2x1024xf32> to vector<2x256xf32>
      %logistic3A_323 = arith.negf %slice3A_322 : vector<2x256xf32>
      %logistic3A_324 = math.exp %logistic3A_323 : vector<2x256xf32>
      %logistic3A_325 = arith.constant 1.000000e+00 : f32
      %logistic3A_326 = vector.broadcast %logistic3A_325 : f32 to vector<2x256xf32>
      %logistic3A_327 = arith.addf %logistic3A_326, %logistic3A_324 : vector<2x256xf32>
      %logistic3A_328 = arith.divf %logistic3A_326, %logistic3A_327 : vector<2x256xf32>
      %mul3A_329 = arith.mulf %logistic3A_312, %tanh3A_321 : vector<2x256xf32>
      %mul3A_330 = arith.mulf %logistic3A_328, %add3A_273 : vector<2x256xf32>
      %add3A_331 = arith.addf %mul3A_329, %mul3A_330 : vector<2x256xf32>
      %tanh3A_332 = math.tanh %add3A_331 : vector<2x256xf32>
      %mul3A_333 = arith.mulf %logistic3A_319, %tanh3A_332 : vector<2x256xf32>
      %broadcast_in_dim3A_334 = vector.shape_cast %mul3A_333 : vector<2x256xf32> to vector<1x2x256xf32>
      %mul3A_335 = arith.constant 4 : i32
      %mul3A_336 = arith.muli %mul3A_335, %sub3A_169 : i32
      %add3A_337 = arith.constant 1 : i32
      %add3A_338 = arith.addi %mul3A_336, %add3A_337 : i32
      %swap3A_339 = arith.index_cast %add3A_338 : i32 to index
      %swap3A_340 = arith.constant 0 : index
      %swap3A_341 = arith.constant 0 : index
      %swap3A_342 = vector.load %arg14[%swap3A_339, %swap3A_340, %swap3A_341] : memref<512x2x256xf32, #tpu.memory_space<vmem>>, vector<1x2x256xf32>
      tpu.vector_store %arg14[%swap3A_339, %swap3A_340, %swap3A_341], %broadcast_in_dim3A_334 {strides = array<i32>} : memref<512x2x256xf32, #tpu.memory_space<vmem>>, vector<1x2x256xf32>,
      %add3A_343 = arith.constant 0 : i32
      %add3A_344 = arith.addi %multiple_of3A, %add3A_343 : i32
      %get3A_345 = arith.index_cast %add3A_344 : i32 to index
      %get3A_346 = arith.constant 0 : index
      %get3A_347 = vector.load %arg13[%get3A_345, %get3A_346] : memref<1024x1024xf32, #tpu.memory_space<vmem>>, vector<1x1024xf32>
      %add3A_348 = arith.constant 0 : i32
      %add3A_349 = arith.addi %multiple_of3A, %add3A_348 : i32
      %add3A_350 = arith.constant 1 : i32
      %add3A_351 = arith.addi %add3A_349, %add3A_350 : i32
      %get3A_352 = arith.index_cast %add3A_351 : i32 to index
      %get3A_353 = arith.constant 0 : index
      %get3A_354 = vector.load %arg13[%get3A_352, %get3A_353] : memref<1024x1024xf32, #tpu.memory_space<vmem>>, vector<1x1024xf32>
      %concatenate3A_355 = tpu.concatenate %get3A_347, %get3A_354 in 0 : vector<1x1024xf32>, vector<1x1024xf32> -> vector<2x1024xf32>
      %slice3A_356 = vector.extract_strided_slice %mul3A_333 {offsets = [0, 0], sizes = [2, 152], strides = [1, 1]} : vector<2x256xf32> to vector<2x152xf32>
      %convert_element_type3A_357 = arith.truncf %slice3A_356 : vector<2x152xf32> to vector<2x152xbf16>
      %get3A_358 = arith.constant 0 : index
      %get3A_359 = arith.constant 0 : index
      %get3A_360 = vector.load %arg3[%get3A_358, %get3A_359] : memref<152x1024xbf16, #tpu.memory_space<vmem>>, vector<152x1024xbf16>
      %dot_general3A_361 = arith.constant dense<0.000000e+00> : vector<2x1024xf32>
      %dot_general3A_362 = tpu.matmul %convert_element_type3A_357, %get3A_360, %dot_general3A_361 {dimension_numbers = #tpu.dot_dimension_numbers<[1], [0], [0], [1], [0, 0, 1, 1], [], []>, transpose_lhs_hint = false} : vector<2x152xbf16>, vector<152x1024xbf16>, vector<2x1024xf32> -> vector<2x1024xf32>
      %add3A_363 = arith.addf %concatenate3A_355, %dot_general3A_362 : vector<2x1024xf32>
      %slice3A_364 = vector.extract_strided_slice %add3A_363 {offsets = [0, 0], sizes = [2, 256], strides = [1, 1]} : vector<2x1024xf32> to vector<2x256xf32>
      %logistic3A_365 = arith.negf %slice3A_364 : vector<2x256xf32>
      %logistic3A_366 = math.exp %logistic3A_365 : vector<2x256xf32>
      %logistic3A_367 = arith.constant 1.000000e+00 : f32
      %logistic3A_368 = vector.broadcast %logistic3A_367 : f32 to vector<2x256xf32>
      %logistic3A_369 = arith.addf %logistic3A_368, %logistic3A_366 : vector<2x256xf32>
      %logistic3A_370 = arith.divf %logistic3A_368, %logistic3A_369 : vector<2x256xf32>
      %slice3A_371 = vector.extract_strided_slice %add3A_363 {offsets = [0, 256], sizes = [2, 256], strides = [1, 1]} : vector<2x1024xf32> to vector<2x256xf32>
      %logistic3A_372 = arith.negf %slice3A_371 : vector<2x256xf32>
      %logistic3A_373 = math.exp %logistic3A_372 : vector<2x256xf32>
      %logistic3A_374 = arith.constant 1.000000e+00 : f32
      %logistic3A_375 = vector.broadcast %logistic3A_374 : f32 to vector<2x256xf32>
      %logistic3A_376 = arith.addf %logistic3A_375, %logistic3A_373 : vector<2x256xf32>
      %logistic3A_377 = arith.divf %logistic3A_375, %logistic3A_376 : vector<2x256xf32>
      %slice3A_378 = vector.extract_strided_slice %add3A_363 {offsets = [0, 512], sizes = [2, 256], strides = [1, 1]} : vector<2x1024xf32> to vector<2x256xf32>
      %tanh3A_379 = math.tanh %slice3A_378 : vector<2x256xf32>
      %slice3A_380 = vector.extract_strided_slice %add3A_363 {offsets = [0, 768], sizes = [2, 256], strides = [1, 1]} : vector<2x1024xf32> to vector<2x256xf32>
      %logistic3A_381 = arith.negf %slice3A_380 : vector<2x256xf32>
      %logistic3A_382 = math.exp %logistic3A_381 : vector<2x256xf32>
      %logistic3A_383 = arith.constant 1.000000e+00 : f32
      %logistic3A_384 = vector.broadcast %logistic3A_383 : f32 to vector<2x256xf32>
      %logistic3A_385 = arith.addf %logistic3A_384, %logistic3A_382 : vector<2x256xf32>
      %logistic3A_386 = arith.divf %logistic3A_384, %logistic3A_385 : vector<2x256xf32>
      %mul3A_387 = arith.mulf %logistic3A_370, %tanh3A_379 : vector<2x256xf32>
      %mul3A_388 = arith.mulf %logistic3A_386, %add3A_331 : vector<2x256xf32>
      %add3A_389 = arith.addf %mul3A_387, %mul3A_388 : vector<2x256xf32>
      %tanh3A_390 = math.tanh %add3A_389 : vector<2x256xf32>
      %mul3A_391 = arith.mulf %logistic3A_377, %tanh3A_390 : vector<2x256xf32>
      %broadcast_in_dim3A_392 = vector.shape_cast %mul3A_391 : vector<2x256xf32> to vector<1x2x256xf32>
      %mul3A_393 = arith.constant 4 : i32
      %mul3A_394 = arith.muli %mul3A_393, %sub3A_169 : i32
      %add3A_395 = arith.constant 0 : i32
      %add3A_396 = arith.addi %mul3A_394, %add3A_395 : i32
      %swap3A_397 = arith.index_cast %add3A_396 : i32 to index
      %swap3A_398 = arith.constant 0 : index
      %swap3A_399 = arith.constant 0 : index
      %swap3A_400 = vector.load %arg14[%swap3A_397, %swap3A_398, %swap3A_399] : memref<512x2x256xf32, #tpu.memory_space<vmem>>, vector<1x2x256xf32>
      tpu.vector_store %arg14[%swap3A_397, %swap3A_398, %swap3A_399], %broadcast_in_dim3A_392 {strides = array<i32>} : memref<512x2x256xf32, #tpu.memory_space<vmem>>, vector<1x2x256xf32>,
      scf.yield %add3A_389, %mul3A_391 : vector<2x256xf32>, vector<2x256xf32>
    }
    %scan3A_17 = arith.constant 128 : i32
    %slice3A = vector.extract_strided_slice %scan3A_16#1 {offsets = [0, 0], sizes = [1, 256], strides = [1, 1]} : vector<2x256xf32> to vector<1x256xf32>
    %slice3A_18 = vector.extract_strided_slice %scan3A_16#1 {offsets = [1, 0], sizes = [1, 256], strides = [1, 1]} : vector<2x256xf32> to vector<1x256xf32>
    %get3A_19 = arith.constant 0 : index
    %get3A_20 = arith.constant 0 : index
    %get3A_21 = arith.constant 0 : index
    %get3A_22 = vector.load %arg14[%get3A_19, %get3A_20, %get3A_21] : memref<512x2x256xf32, #tpu.memory_space<vmem>>, vector<512x2x256xf32>
    %broadcast_in_dim3A_23 = vector.shape_cast %slice3A : vector<1x256xf32> to vector<1x1x256xf32>
    %mul3A = vector.broadcast %broadcast_in_dim3A_23 : vector<1x1x256xf32> to vector<512x2x256xf32>
    %mul3A_24 = arith.mulf %get3A_22, %mul3A : vector<512x2x256xf32>
    %reduce_sum3A = arith.constant dense<0.000000e+00> : vector<512x2xf32>
    %reduce_sum3A_25 = vector.multi_reduction <add>, %mul3A_24, %reduce_sum3A [2] : vector<512x2x256xf32> to vector<512x2xf32>
    %broadcast_in_dim3A_26 = vector.shape_cast %reduce_sum3A_25 : vector<512x2xf32> to vector<512x2x1xf32>
    %broadcast_in_dim3A_27 = vector.shape_cast %slice3A_18 : vector<1x256xf32> to vector<1x1x256xf32>
    %mul3A_28 = vector.broadcast %broadcast_in_dim3A_27 : vector<1x1x256xf32> to vector<512x2x256xf32>
    %mul3A_29 = arith.mulf %get3A_22, %mul3A_28 : vector<512x2x256xf32>
    %reduce_sum3A_30 = arith.constant dense<0.000000e+00> : vector<512x2xf32>
    %reduce_sum3A_31 = vector.multi_reduction <add>, %mul3A_29, %reduce_sum3A_30 [2] : vector<512x2x256xf32> to vector<512x2xf32>
    %broadcast_in_dim3A_32 = vector.shape_cast %reduce_sum3A_31 : vector<512x2xf32> to vector<512x2x1xf32>
    %iota3A = tpu.iota {dimensions = array<i32: 1>} : vector<512x2x1xi32>
    %eq3A = arith.constant 1 : i32
    %eq3A_33 = vector.broadcast %eq3A : i32 to vector<512x2x1xi32>
    %eq3A_34 = arith.cmpi eq, %iota3A, %eq3A_33 : vector<512x2x1xi32>
    %jit3A = arith.constant 0xFF800000 : f32
    %broadcast_in_dim3A_35 = vector.broadcast %jit3A : f32 to vector<512x2x1xf32>
    %select_n3A = arith.select %eq3A_34, %broadcast_in_dim3A_26, %broadcast_in_dim3A_35 : vector<512x2x1xi1>, vector<512x2x1xf32>
    %reduce_max3A = arith.constant dense<0xFF800000> : vector<2x1xf32>
    %reduce_max3A_36 = vector.multi_reduction <maximumf>, %select_n3A, %reduce_max3A [0] : vector<512x2x1xf32> to vector<2x1xf32>
    %broadcast_in_dim3A_37 = vector.shape_cast %reduce_max3A_36 : vector<2x1xf32> to vector<1x2x1xf32>
    %reduce_max3A_38 = arith.constant dense<0xFF800000> : vector<1x1xf32>
    %reduce_max3A_39 = vector.multi_reduction <maximumf>, %broadcast_in_dim3A_37, %reduce_max3A_38 [1] : vector<1x2x1xf32> to vector<1x1xf32>
    %broadcast_in_dim3A_40 = vector.shape_cast %reduce_max3A_39 : vector<1x1xf32> to vector<1x1x1xf32>
    %sub3A = vector.broadcast %broadcast_in_dim3A_40 : vector<1x1x1xf32> to vector<512x2x1xf32>
    %sub3A_41 = arith.subf %broadcast_in_dim3A_26, %sub3A : vector<512x2x1xf32>
    %exp3A = math.exp %sub3A_41 : vector<512x2x1xf32>
    %jit3A_42 = arith.constant 0.000000e+00 : f32
    %broadcast_in_dim3A_43 = vector.broadcast %jit3A_42 : f32 to vector<512x2x1xf32>
    %select_n3A_44 = arith.select %eq3A_34, %exp3A, %broadcast_in_dim3A_43 : vector<512x2x1xi1>, vector<512x2x1xf32>
    %reduce_sum3A_45 = arith.constant dense<0.000000e+00> : vector<2x1xf32>
    %reduce_sum3A_46 = vector.multi_reduction <add>, %select_n3A_44, %reduce_sum3A_45 [0] : vector<512x2x1xf32> to vector<2x1xf32>
    %broadcast_in_dim3A_47 = vector.shape_cast %reduce_sum3A_46 : vector<2x1xf32> to vector<1x2x1xf32>
    %reduce_sum3A_48 = arith.constant dense<0.000000e+00> : vector<1x1xf32>
    %reduce_sum3A_49 = vector.multi_reduction <add>, %broadcast_in_dim3A_47, %reduce_sum3A_48 [1] : vector<1x2x1xf32> to vector<1x1xf32>
    %broadcast_in_dim3A_50 = vector.shape_cast %reduce_sum3A_49 : vector<1x1xf32> to vector<1x1x1xf32>
    %div3A = vector.broadcast %broadcast_in_dim3A_50 : vector<1x1x1xf32> to vector<512x2x1xf32>
    %div3A_51 = arith.divf %select_n3A_44, %div3A : vector<512x2x1xf32>
    %not3A = arith.constant dense<true> : vector<512x2x1xi1>
    %not3A_52 = arith.xori %eq3A_34, %not3A : vector<512x2x1xi1>
    %jit3A_53 = arith.constant 0xFF800000 : f32
    %broadcast_in_dim3A_54 = vector.broadcast %jit3A_53 : f32 to vector<512x2x1xf32>
    %select_n3A_55 = arith.select %not3A_52, %broadcast_in_dim3A_32, %broadcast_in_dim3A_54 : vector<512x2x1xi1>, vector<512x2x1xf32>
    %reduce_max3A_56 = arith.constant dense<0xFF800000> : vector<2x1xf32>
    %reduce_max3A_57 = vector.multi_reduction <maximumf>, %select_n3A_55, %reduce_max3A_56 [0] : vector<512x2x1xf32> to vector<2x1xf32>
    %broadcast_in_dim3A_58 = vector.shape_cast %reduce_max3A_57 : vector<2x1xf32> to vector<1x2x1xf32>
    %reduce_max3A_59 = arith.constant dense<0xFF800000> : vector<1x1xf32>
    %reduce_max3A_60 = vector.multi_reduction <maximumf>, %broadcast_in_dim3A_58, %reduce_max3A_59 [1] : vector<1x2x1xf32> to vector<1x1xf32>
    %broadcast_in_dim3A_61 = vector.shape_cast %reduce_max3A_60 : vector<1x1xf32> to vector<1x1x1xf32>
    %sub3A_62 = vector.broadcast %broadcast_in_dim3A_61 : vector<1x1x1xf32> to vector<512x2x1xf32>
    %sub3A_63 = arith.subf %broadcast_in_dim3A_32, %sub3A_62 : vector<512x2x1xf32>
    %exp3A_64 = math.exp %sub3A_63 : vector<512x2x1xf32>
    %jit3A_65 = arith.constant 0.000000e+00 : f32
    %broadcast_in_dim3A_66 = vector.broadcast %jit3A_65 : f32 to vector<512x2x1xf32>
    %select_n3A_67 = arith.select %not3A_52, %exp3A_64, %broadcast_in_dim3A_66 : vector<512x2x1xi1>, vector<512x2x1xf32>
    %reduce_sum3A_68 = arith.constant dense<0.000000e+00> : vector<2x1xf32>
    %reduce_sum3A_69 = vector.multi_reduction <add>, %select_n3A_67, %reduce_sum3A_68 [0] : vector<512x2x1xf32> to vector<2x1xf32>
    %broadcast_in_dim3A_70 = vector.shape_cast %reduce_sum3A_69 : vector<2x1xf32> to vector<1x2x1xf32>
    %reduce_sum3A_71 = arith.constant dense<0.000000e+00> : vector<1x1xf32>
    %reduce_sum3A_72 = vector.multi_reduction <add>, %broadcast_in_dim3A_70, %reduce_sum3A_71 [1] : vector<1x2x1xf32> to vector<1x1xf32>
    %broadcast_in_dim3A_73 = vector.shape_cast %reduce_sum3A_72 : vector<1x1xf32> to vector<1x1x1xf32>
    %div3A_74 = vector.broadcast %broadcast_in_dim3A_73 : vector<1x1x1xf32> to vector<512x2x1xf32>
    %div3A_75 = arith.divf %select_n3A_67, %div3A_74 : vector<512x2x1xf32>
    %mul3A_76 = vector.broadcast %div3A_51 : vector<512x2x1xf32> to vector<512x2x256xf32>
    %mul3A_77 = arith.mulf %mul3A_76, %get3A_22 : vector<512x2x256xf32>
    %reduce_sum3A_78 = arith.constant dense<0.000000e+00> : vector<2x256xf32>
    %reduce_sum3A_79 = vector.multi_reduction <add>, %mul3A_77, %reduce_sum3A_78 [0] : vector<512x2x256xf32> to vector<2x256xf32>
    %reduce_sum3A_80 = arith.constant dense<0.000000e+00> : vector<256xf32>
    %reduce_sum3A_81 = vector.multi_reduction <add>, %reduce_sum3A_79, %reduce_sum3A_80 [0] : vector<2x256xf32> to vector<256xf32>
    %broadcast_in_dim3A_82 = vector.shape_cast %reduce_sum3A_81 : vector<256xf32> to vector<1x256xf32>
    %mul3A_83 = vector.broadcast %div3A_75 : vector<512x2x1xf32> to vector<512x2x256xf32>
    %mul3A_84 = arith.mulf %mul3A_83, %get3A_22 : vector<512x2x256xf32>
    %reduce_sum3A_85 = arith.constant dense<0.000000e+00> : vector<2x256xf32>
    %reduce_sum3A_86 = vector.multi_reduction <add>, %mul3A_84, %reduce_sum3A_85 [0] : vector<512x2x256xf32> to vector<2x256xf32>
    %reduce_sum3A_87 = arith.constant dense<0.000000e+00> : vector<256xf32>
    %reduce_sum3A_88 = vector.multi_reduction <add>, %reduce_sum3A_86, %reduce_sum3A_87 [0] : vector<2x256xf32> to vector<256xf32>
    %broadcast_in_dim3A_89 = vector.shape_cast %reduce_sum3A_88 : vector<256xf32> to vector<1x256xf32>
    %get3A_90 = arith.constant 0 : index
    %get3A_91 = arith.constant 0 : index
    %get3A_92 = vector.load %arg4[%get3A_90, %get3A_91] : memref<256x150xf32, #tpu.memory_space<vmem>>, vector<256x150xf32>
    %dot_general3A_93 = arith.constant dense<0.000000e+00> : vector<1x150xf32>
    %dot_general3A_94 = tpu.matmul %slice3A, %get3A_92, %dot_general3A_93 {dimension_numbers = #tpu.dot_dimension_numbers<[1], [0], [0], [1], [0, 0, 1, 1], [], []>, transpose_lhs_hint = false} : vector<1x256xf32>, vector<256x150xf32>, vector<1x150xf32> -> vector<1x150xf32>
    %get3A_95 = arith.constant 0 : index
    %get3A_96 = arith.constant 0 : index
    %get3A_97 = vector.load %arg5[%get3A_95, %get3A_96] : memref<256x150xf32, #tpu.memory_space<vmem>>, vector<256x150xf32>
    %dot_general3A_98 = arith.constant dense<0.000000e+00> : vector<1x150xf32>
    %dot_general3A_99 = tpu.matmul %broadcast_in_dim3A_82, %get3A_97, %dot_general3A_98 {dimension_numbers = #tpu.dot_dimension_numbers<[1], [0], [0], [1], [0, 0, 1, 1], [], []>, transpose_lhs_hint = false} : vector<1x256xf32>, vector<256x150xf32>, vector<1x150xf32> -> vector<1x150xf32>
    %add3A_100 = arith.addf %dot_general3A_94, %dot_general3A_99 : vector<1x150xf32>
    %get3A_101 = arith.constant 0 : index
    %get3A_102 = arith.constant 0 : index
    %get3A_103 = vector.load %arg6[%get3A_101, %get3A_102] : memref<1x150xf32, #tpu.memory_space<vmem>>, vector<1x150xf32>
    %add3A_104 = arith.addf %add3A_100, %get3A_103 : vector<1x150xf32>
    %get3A_105 = arith.constant 0 : index
    %get3A_106 = arith.constant 0 : index
    %get3A_107 = vector.load %arg4[%get3A_105, %get3A_106] : memref<256x150xf32, #tpu.memory_space<vmem>>, vector<256x150xf32>
    %dot_general3A_108 = arith.constant dense<0.000000e+00> : vector<1x150xf32>
    %dot_general3A_109 = tpu.matmul %slice3A_18, %get3A_107, %dot_general3A_108 {dimension_numbers = #tpu.dot_dimension_numbers<[1], [0], [0], [1], [0, 0, 1, 1], [], []>, transpose_lhs_hint = false} : vector<1x256xf32>, vector<256x150xf32>, vector<1x150xf32> -> vector<1x150xf32>
    %get3A_110 = arith.constant 0 : index
    %get3A_111 = arith.constant 0 : index
    %get3A_112 = vector.load %arg5[%get3A_110, %get3A_111] : memref<256x150xf32, #tpu.memory_space<vmem>>, vector<256x150xf32>
    %dot_general3A_113 = arith.constant dense<0.000000e+00> : vector<1x150xf32>
    %dot_general3A_114 = tpu.matmul %broadcast_in_dim3A_89, %get3A_112, %dot_general3A_113 {dimension_numbers = #tpu.dot_dimension_numbers<[1], [0], [0], [1], [0, 0, 1, 1], [], []>, transpose_lhs_hint = false} : vector<1x256xf32>, vector<256x150xf32>, vector<1x150xf32> -> vector<1x150xf32>
    %add3A_115 = arith.addf %dot_general3A_109, %dot_general3A_114 : vector<1x150xf32>
    %get3A_116 = arith.constant 0 : index
    %get3A_117 = arith.constant 0 : index
    %get3A_118 = vector.load %arg6[%get3A_116, %get3A_117] : memref<1x150xf32, #tpu.memory_space<vmem>>, vector<1x150xf32>
    %add3A_119 = arith.addf %add3A_115, %get3A_118 : vector<1x150xf32>
    %mul3A_120 = arith.mulf %add3A_104, %add3A_119 : vector<1x150xf32>
    %sub3A_121 = arith.subf %add3A_104, %add3A_119 : vector<1x150xf32>
    %abs3A = math.absf %sub3A_121 : vector<1x150xf32>
    %get3A_122 = arith.constant 0 : index
    %get3A_123 = arith.constant 0 : index
    %get3A_124 = vector.load %arg7[%get3A_122, %get3A_123] : memref<150x50xf32, #tpu.memory_space<vmem>>, vector<150x50xf32>
    %dot_general3A_125 = arith.constant dense<0.000000e+00> : vector<1x50xf32>
    %dot_general3A_126 = tpu.matmul %mul3A_120, %get3A_124, %dot_general3A_125 {dimension_numbers = #tpu.dot_dimension_numbers<[1], [0], [0], [1], [0, 0, 1, 1], [], []>, transpose_lhs_hint = false} : vector<1x150xf32>, vector<150x50xf32>, vector<1x50xf32> -> vector<1x50xf32>
    %get3A_127 = arith.constant 0 : index
    %get3A_128 = arith.constant 0 : index
    %get3A_129 = vector.load %arg8[%get3A_127, %get3A_128] : memref<150x50xf32, #tpu.memory_space<vmem>>, vector<150x50xf32>
    %dot_general3A_130 = arith.constant dense<0.000000e+00> : vector<1x50xf32>
    %dot_general3A_131 = tpu.matmul %abs3A, %get3A_129, %dot_general3A_130 {dimension_numbers = #tpu.dot_dimension_numbers<[1], [0], [0], [1], [0, 0, 1, 1], [], []>, transpose_lhs_hint = false} : vector<1x150xf32>, vector<150x50xf32>, vector<1x50xf32> -> vector<1x50xf32>
    %add3A_132 = arith.addf %dot_general3A_126, %dot_general3A_131 : vector<1x50xf32>
    %get3A_133 = arith.constant 0 : index
    %get3A_134 = arith.constant 0 : index
    %get3A_135 = vector.load %arg9[%get3A_133, %get3A_134] : memref<1x50xf32, #tpu.memory_space<vmem>>, vector<1x50xf32>
    %add3A_136 = arith.addf %add3A_132, %get3A_135 : vector<1x50xf32>
    %logistic3A = arith.negf %add3A_136 : vector<1x50xf32>
    %logistic3A_137 = math.exp %logistic3A : vector<1x50xf32>
    %logistic3A_138 = arith.constant 1.000000e+00 : f32
    %logistic3A_139 = vector.broadcast %logistic3A_138 : f32 to vector<1x50xf32>
    %logistic3A_140 = arith.addf %logistic3A_139, %logistic3A_137 : vector<1x50xf32>
    %logistic3A_141 = arith.divf %logistic3A_139, %logistic3A_140 : vector<1x50xf32>
    %get3A_142 = arith.constant 0 : index
    %get3A_143 = arith.constant 0 : index
    %get3A_144 = vector.load %arg10[%get3A_142, %get3A_143] : memref<50x5xf32, #tpu.memory_space<vmem>>, vector<50x5xf32>
    %dot_general3A_145 = arith.constant dense<0.000000e+00> : vector<1x5xf32>
    %dot_general3A_146 = tpu.matmul %logistic3A_141, %get3A_144, %dot_general3A_145 {dimension_numbers = #tpu.dot_dimension_numbers<[1], [0], [0], [1], [0, 0, 1, 1], [], []>, transpose_lhs_hint = false} : vector<1x50xf32>, vector<50x5xf32>, vector<1x5xf32> -> vector<1x5xf32>
    %get3A_147 = arith.constant 0 : index
    %get3A_148 = arith.constant 0 : index
    %get3A_149 = vector.load %arg11[%get3A_147, %get3A_148] : memref<1x5xf32, #tpu.memory_space<vmem>>, vector<1x5xf32>
    %add3A_150 = arith.addf %dot_general3A_146, %get3A_149 : vector<1x5xf32>
    %reduce_max3A_151 = arith.constant dense<0xFF800000> : vector<1xf32>
    %reduce_max3A_152 = vector.multi_reduction <maximumf>, %add3A_150, %reduce_max3A_151 [1] : vector<1x5xf32> to vector<1xf32>
    %broadcast_in_dim3A_153 = vector.shape_cast %reduce_max3A_152 : vector<1xf32> to vector<1x1xf32>
    %sub3A_154 = vector.broadcast %broadcast_in_dim3A_153 : vector<1x1xf32> to vector<1x5xf32>
    %sub3A_155 = arith.subf %add3A_150, %sub3A_154 : vector<1x5xf32>
    %exp3A_156 = math.exp %sub3A_155 : vector<1x5xf32>
    %reduce_sum3A_157 = arith.constant dense<0.000000e+00> : vector<1xf32>
    %reduce_sum3A_158 = vector.multi_reduction <add>, %exp3A_156, %reduce_sum3A_157 [1] : vector<1x5xf32> to vector<1xf32>
    %broadcast_in_dim3A_159 = vector.shape_cast %reduce_sum3A_158 : vector<1xf32> to vector<1x1xf32>
    %log3A = math.log %broadcast_in_dim3A_159 : vector<1x1xf32>
    %sub3A_160 = vector.broadcast %log3A : vector<1x1xf32> to vector<1x5xf32>
    %sub3A_161 = arith.subf %sub3A_155, %sub3A_160 : vector<1x5xf32>
    %swap3A_162 = arith.constant 0 : index
    %swap3A_163 = arith.constant 0 : index
    %swap3A_164 = vector.load %arg12[%swap3A_162, %swap3A_163] : memref<1x5xf32, #tpu.memory_space<vmem>>, vector<1x5xf32>
    tpu.vector_store %arg12[%swap3A_162, %swap3A_163], %sub3A_161 {strides = array<i32>} : memref<1x5xf32, #tpu.memory_space<vmem>>, vector<1x5xf32>,
    return
  }
}

</mosaic_0001>

<sc_bundles>
// kernel: kernel.4.cloned.1.call-start
scs
__scs_entry_jumppad:
0x0: {  	(pc) =	sbr.rel $0x88, $3  }
0x1: {  	(tag) =	ssettag $0x0;
	lr =	simm.s32 $0x1  }
0x2: {  	[smem:$0x3F90] =	sst lr;
	_ =	strace $0xD0000000  }
0x3: {  	_ = 	snop  }
0x4: {  	_ = 	snop  }
0x5: {  	_ = 	snop  }
0x6: {  	_ = 	snop  }
0x7: {  	_ = 	snop  }
__scs_overlays_trampoline_lowered:
0x8: {  	[smem:$0x3F9F] =	sst s0  }
0x9: {  	[smem:$0x3FA0] =	sst s1  }
0xa: {  	[smem:$0x3FA1] =	sst s2  }
0xb: {  	[smem:$0x3FA2] =	sst s3  }
0xc: {  	[smem:$0x3FA3] =	sst s4  }
0xd: {  	[smem:$0x3FA4] =	sst s5  }
0xe: {  	[smem:$0x3FA5] =	sst s6  }
0xf: {  	[smem:$0x3FA6] =	sst s7  }
0x10: {  	[smem:$0x3FA7] =	sst s8  }
0x11: {  	[smem:$0x3FA8] =	sst s9;
	s0 =	simm.s32 @!p0 $0x0  }
0x12: {  	s1 =	sld [smem:$0x3F8E];
	s0 =	simm.s32 @p0 $0x1  }
0x13: {  	[smem:$0x3FA9] =	sst s0;
	s0 =	simm.s32 @!p1 $0x0  }
0x14: {  	s2 =	sld [smem:$0x3F8D];
	s0 =	simm.s32 @p1 $0x1  }
0x15: {  	[smem:$0x3FAA] =	sst s0;
	s0 =	simm.s32 @!p2 $0x0  }
0x16: {  	s3 =	sld [smem:$0x3FDB];
	s0 =	simm.s32 @p2 $0x1  }
0x17: {  	s4 =	simm.s32 $0x1BF5;
	[smem:$0x3FAC] =	sst s0  }
0x18: {  	s0 =	sld [smem:$0x3F8F];
	_ =	swait.ge [sflag:s4], $0x0  }
0x19: {  	s7 =	sld [smem:$0x3F90]  }
0x1a: {  	s8 =	sadd.s32 $0xFFFFE003, lr  }
0x1b: {  	s9 =	sadd.s32 $0xFFFFFEF7, lr;
	s5 =	simm.s32 $0xFFFFFFFF;
	p2 =	slt.u32 s8, $0xFFFFF086  }
0x1c: {  	p1 =	slt.u32 s9, $0xF7A;
	s5 =	simm.s32 @!p2 $0x0  }
0x1d: {  	s5 =	simm.s32 @p1 $0x1;
	p0 =	seq.s32 s7, s2  }
0x1e: {  	s7 =	smul.u32 @!p0 $0xF7A, s2;
	p2 =	seq.s32 @!p0 s5, $0x0  }
0x1f: {  	s9 =	smul.u32 $0xF7A, s1;
	s8 =	simm.s32 @!p0 $0x1BF5;
	p2 =	por !p2, p0  }
0x20: {  	[sflag:s8] =	ssyncset.s32 @!p0 $0xFFFFF086;
	s6 =	sadd.s32 @!p0 s3, s7;
	s7 =	simm.s32 @!p0 $0x108  }
0x21: {  	s3 =	sadd.s32 s3, s9;
	s6 =	sadd.s32 @!p0 $0x88, s6;
	s7 =	simm.s32 @p2 $0x1082  }
0x22: {  	[simem:s7], [sflag:s8] =	dma.local @!p0 [hbm:s6], $0xF7A  }
0x23: {  	s9 =	sor.u32 $0xD0000000, s2;
	s6 =	simm.s32 $0x108;
	_ =	swait.ge @!p0 [sflag:s8], $0x0  }
0x24: {  	s3 =	sadd.s32 $0x88, s3;
	s6 =	simm.s32 @!p1 $0x1082;
	[sflag:s4] =	ssyncset.s32 $0xFFFFF086  }
0x25: {  	[simem:s6], [sflag:s4] =	dma.local [hbm:s3], $0xF7A  }
0x26: {  	[smem:$0x3F90] =	sst s1;
	(tag) =	ssettag s2;
	_ =	strace s9  }
0x27: {  	s1 =	sld [smem:$0x3FA0]  }
0x28: {  	s2 =	sld [smem:$0x3FA1]  }
0x29: {  	s4 =	sld [smem:$0x3FA3]  }
0x2a: {  	p0 =	seq.s32 s5, $0x0;
	s5 =	sld [smem:$0x3FA4]  }
0x2b: {  	s6 =	sld [smem:$0x3FA5]  }
0x2c: {  	s7 =	sld [smem:$0x3FA6]  }
0x2d: {  	s3 =	simm.s32 $0x108;
	s8 =	sld [smem:$0x3FA7]  }
0x2e: {  	s3 =	simm.s32 @!p0 $0x1082;
	s9 =	sld [smem:$0x3FA8]  }
0x2f: {  	lr =	sadd.s32 s0, s3;
	s0 =	sld [smem:$0x3F9F]  }
0x30: {  	s3 =	sld [smem:$0x3FA2]  }
0x31: {  	[smem:$0x3FAB] =	sst s10  }
0x32: {  	s10 =	sld [smem:$0x3FA9];
	_ =	sdelay $0x3  }
0x33: {  	p0 =	seq.s32 s10, $0x1;
	s10 =	sld [smem:$0x3FAB];
	_ =	sdelay $0x3  }
0x34: {  	[smem:$0x3FAB] =	sst s10  }
0x35: {  	s10 =	sld [smem:$0x3FAA];
	_ =	sdelay $0x3  }
0x36: {  	p1 =	seq.s32 s10, $0x1;
	s10 =	sld [smem:$0x3FAB];
	_ =	sdelay $0x3  }
0x37: {  	[smem:$0x3FAB] =	sst s10  }
0x38: {  	s10 =	sld [smem:$0x3FAC]  }
0x39: {  	_ = 	snop;
	(pc) =	sbr.ind lr, $3  }
0x3a: {  	_ = 	snop  }
0x3b: {  	_ = 	snop  }
0x3c: {  	p2 =	seq.s32 s10, $0x1;
	s10 =	sld [smem:$0x3FAB]  }
0x3d: {  	_ =	shalt  }
0x3e: {  	_ =	shalt  }
0x3f: {  	_ =	shalt  }
0x40: {  	_ =	shalt  }
0x41: {  	_ =	shalt  }
0x42: {  	_ =	shalt  }
0x43: {  	_ =	shalt  }
0x44: {  	_ =	shalt  }
0x45: {  	_ =	shalt  }
0x46: {  	_ =	shalt  }
0x47: {  	_ =	shalt  }
0x48: {  	_ =	shalt  }
0x49: {  	_ =	shalt  }
0x4a: {  	_ =	shalt  }
0x4b: {  	_ =	shalt  }
0x4c: {  	_ =	shalt  }
0x4d: {  	_ =	shalt  }
0x4e: {  	_ =	shalt  }
0x4f: {  	_ =	shalt  }
0x50: {  	_ =	shalt  }
0x51: {  	_ =	shalt  }
0x52: {  	_ =	shalt  }
0x53: {  	_ =	shalt  }
0x54: {  	_ =	shalt  }
0x55: {  	_ =	shalt  }
0x56: {  	_ =	shalt  }
0x57: {  	_ =	shalt  }
0x58: {  	_ =	shalt  }
0x59: {  	_ =	shalt  }
0x5a: {  	_ =	shalt  }
0x5b: {  	_ =	shalt  }
0x5c: {  	_ =	shalt  }
0x5d: {  	_ =	shalt  }
0x5e: {  	_ =	shalt  }
0x5f: {  	_ =	shalt  }
0x60: {  	_ =	shalt  }
0x61: {  	_ =	shalt  }
0x62: {  	_ =	shalt  }
0x63: {  	_ =	shalt  }
0x64: {  	_ =	shalt  }
0x65: {  	_ =	shalt  }
0x66: {  	_ =	shalt  }
0x67: {  	_ =	shalt  }
0x68: {  	_ =	shalt  }
0x69: {  	_ =	shalt  }
0x6a: {  	_ =	shalt  }
0x6b: {  	_ =	shalt  }
0x6c: {  	_ =	shalt  }
0x6d: {  	_ =	shalt  }
0x6e: {  	_ =	shalt  }
0x6f: {  	_ =	shalt  }
0x70: {  	_ =	shalt  }
0x71: {  	_ =	shalt  }
0x72: {  	_ =	shalt  }
0x73: {  	_ =	shalt  }
0x74: {  	_ =	shalt  }
0x75: {  	_ =	shalt  }
0x76: {  	_ =	shalt  }
0x77: {  	_ =	shalt  }
0x78: {  	_ =	shalt  }
0x79: {  	_ =	shalt  }
0x7a: {  	_ =	shalt  }
0x7b: {  	_ =	shalt  }
0x7c: {  	_ =	shalt  }
0x7d: {  	_ =	shalt  }
0x7e: {  	_ =	shalt  }
0x7f: {  	_ =	shalt  }
0x80: {  	_ =	shalt  }
0x81: {  	_ =	shalt  }
0x82: {  	_ =	shalt  }
0x83: {  	_ =	shalt  }
0x84: {  	_ =	shalt  }
0x85: {  	_ =	shalt  }
0x86: {  	_ =	shalt  }
0x87: {  	_ =	shalt  }
.Lfunc_end0:
.L_simem_size_0:
called_computation_lowered:
.L_overlay_start_0:
0x88: {  	s2 =	sld [smem:$0x3FD9]  }
0x89: {  	s3 =	sld [smem:$0x3FFE];
	_ =	sdelay $0x1  }
0x8a: {  	s1 =	srdreg.scid  }
0x8b: {  	s0 =	sand.u32 $0x1, s1  }
0x8c: {  	s16 =	sshll.u32 s0, $0xA;
	s2 =	sadd.s32 s3, s2  }
0x8d: {  	s2 =	sadd.s32 s2, s16  }
0x8e: {  	[smem:$0x3FB7] =	sst s2  }
0x8f: {  	_ = 	snop  }
0x90: {  	(tm) =	ssettm $0x1  }
0x91: {  	s17 =	sld [smem:$0x3FFB];
	_ =	sdelay $0x3  }
0x92: {  	_ =	strace s17  }
0x93: {  	s2 =	sld [smem:$0x3FFC];
	_ =	sdelay $0x3  }
0x94: {  	_ =	strace s2  }
0x95: {  	s2 =	sld [smem:$0x3FFD];
	_ =	sdelay $0x3  }
0x96: {  	_ =	strace s2  }
0x97: {  	_ =	strace $0x8FFFFFFF  }
0x98: {  	s18 =	sld [smem:$0x3FDB];
	_ =	sdelay $0x1  }
0x99: {  	s19 =	simm.s32 $_scs_section_size  }
0x9a: {  	s4 =	simm.s32 $_size__tile_overlayer_lowered;
	s5 =	simm.s32 $_tile_overlayer_lowered  }
0x9b: {  	s22 =	simm.s32 $0x1BFF;
	s21 =	sshll.u32 s5, $0x1;
	s2 =	sadd.s32 s19, s18  }
0x9c: {  	s6 =	simm.s32 $0x0;
	s20 =	sshll.u32 s4, $0x1;
	s4 =	sadd.s32 s21, s2  }
0x9d: {  	[timem:s6], [sflag:s22] =	dma.local [hbm:s4], s20  }
0x9e: {  	_ =	swait.ge [sflag:s22], s20  }
0x9f: {  	s3 =	ssub.s32 $0x0, s20;
	[sflag:s22] =	ssyncset.done $0x0  }
0xa0: {  	[sflag:s22] =	ssyncadd.s32 s3;
	_ =	sdelay $0x1  }
0xa1: {  	s23 =	simm.s32 $0x1B8B  }
0xa2: {  	_ =	swait.ge [sflag:s23], $0x1  }
0xa3: {  	[sflag:s23] =	ssyncset.done $0x0  }
0xa4: {  	s25 =	simm.s32 $0x1B8E;
	s24 =	sld [smem:$0x3FFE];
	[sflag:s23] =	ssyncadd.s32 $0xFFFFFFFF  }
0xa5: {  	s26 =	simm.s32 $execute0_lowered;
	[smem:$0x3FD2] =	sst s25  }
0xa6: {  	s4 =	sshll.u32 s26, $0x1;
	_ =	strace $0x80000046;
	[dreg:$0x1] =	wrdreg $0xFFFFFFFF  }
0xa7: {  	s28 =	simm.s32 $_size_execute0_lowered;
	s2 =	sadd.s32 s2, s4;
	[dreg:$0x0] =	wrdreg $0x0  }
0xa8: {  	s4 =	sshll.u32 s28, $0x1;
	[dreg:$0x2] =	wrdreg s2  }
0xa9: {  	[dreg:$0x3] =	wrdreg s4  }
0xaa: {  	[dreg:$0x4] =	wrdreg $0xC0  }
0xab: {  	_ =	task [dreg:s6], $0x5FFFF  }
0xac: {  	[dreg:$0x1] =	wrdreg $0xFFFFFFFF  }
0xad: {  	[dreg:$0x0] =	wrdreg $0x60  }
0xae: {  	[dreg:$0x2] =	wrdreg s24  }
0xaf: {  	[dreg:$0x3] =	wrdreg $0x9  }
0xb0: {  	_ =	task.clear_ibuf [dreg:s6], $0x4FFFF;
	_ =	strace $0x90000046  }
0xb1: {  	s29 =	simm.s32 $0x9;
	_ =	strace $0x80000048  }
0xb2: {  	_ =	swait.ge [sflag:s29], $0x1  }
0xb3: {  	[sflag:s29] =	ssyncadd.s32 $0xFFFFFFFF  }
0xb4: {  	_ =	strace $0x90000048  }
0xb5: {  	_ =	sfence  }
0xb6: {  	s30 =	sld [smem:$0x0];
	_ =	sdelay $0x2  }
0xb7: {  	s31 =	sshll.u32 s1, $0xD;
	s1 =	sshrl.u32 s1, $0x2  }
0xb8: {  	s3 =	sand.u32 $0x4000, s31;
	s1 =	sadd.s32 s1, s30  }
0xb9: {  	s0 =	sor.u32 s3, s0;
	s1 =	sshll.u32 s1, $0x11  }
0xba: {  	s0 =	sor.u32 s1, s0  }
0xbb: {  	s0 =	sadd.s32 $0x8F2B, s0  }
0xbc: {  	[sflag:s0] =	ssyncadd.remote.s32 $0x1  }
0xbd: {  	_ =	sfence.sel $0xFFFF  }
0xbe: {  	[dreg:$0x0] =	wrdreg $0xFFFFFFFF;
	(pc) =	sbr.abs _section_cstart, $3  }
0xbf: {  	[dreg:$0x1] =	wrdreg $0xFFFFFFFF  }
0xc0: {  	_ =	task.clear_ibuf [dreg:s6], $0x2FFFF;
	_ =	strace $0x9FFFFFFF  }
0xc1: {  	(tm) =	ssettm $0x7FFFFFFF  }
tec
execute0_lowered:
.L_overlay_start_1:
0x0: {  	(tag) =	ssettag $0x1  }
0x1: {  	s1 =	srdreg.scid  }
0x2: {  	s0 =	stileid.u32;
	s4 =	sand.u32 $0x1, s1  }
0x3: {  	s3 =	rddreg [dreg:$0x0];
	s9 =	sshll.u32 s0, $0x3;
	s2 =	sshll.u32 s4, $0x2  }
0x4: {  	s1 =	rddreg [dreg:$0x1];
	s5 =	sor.u32 s2, s9;
	s2 =	simm.s32 $0x0  }
0x5: {  	s11 =	simm.s32 $0x480;
	[smem:$0x7FF] =	sst s2  }
0x6: {  	s12 =	simm.s32 $0x880;
	_ =	strace $0x80000047;
	[dreg:$0x4] =	wrdreg s11  }
0x7: {  	s13 =	simm.s32 $0x100;
	[dreg:$0x5] =	wrdreg s12  }
0x8: {  	s14 =	simm.s32 $0x500;
	[dreg:$0x6] =	wrdreg s13  }
0x9: {  	s15 =	simm.s32 $0x900;
	[dreg:$0x7] =	wrdreg s14  }
0xa: {  	s16 =	simm.s32 $0x180;
	[dreg:$0x8] =	wrdreg s15  }
0xb: {  	s17 =	simm.s32 $0x580;
	[dreg:$0x9] =	wrdreg s16  }
0xc: {  	s18 =	simm.s32 $0x980;
	[dreg:$0xa] =	wrdreg s17  }
0xd: {  	s19 =	simm.s32 $0x200;
	[dreg:$0xb] =	wrdreg s18  }
0xe: {  	s20 =	simm.s32 $0x600;
	[dreg:$0xc] =	wrdreg s19  }
0xf: {  	s21 =	simm.s32 $0xA00;
	[dreg:$0xd] =	wrdreg s20  }
0x10: {  	s22 =	simm.s32 $0x280;
	[dreg:$0xe] =	wrdreg s21  }
0x11: {  	s23 =	simm.s32 $0x680;
	[dreg:$0xf] =	wrdreg s22  }
0x12: {  	s24 =	simm.s32 $0xA80;
	[dreg:$0x10] =	wrdreg s23  }
0x13: {  	s25 =	simm.s32 $0x300;
	[dreg:$0x11] =	wrdreg s24  }
0x14: {  	s26 =	simm.s32 $0x700;
	[dreg:$0x12] =	wrdreg s25  }
0x15: {  	s28 =	simm.s32 $0xB00;
	[dreg:$0x13] =	wrdreg s26  }
0x16: {  	s29 =	simm.s32 $0x380;
	[dreg:$0x14] =	wrdreg s28  }
0x17: {  	s30 =	simm.s32 $0x780;
	[dreg:$0x15] =	wrdreg s29  }
0x18: {  	s31 =	simm.s32 $0xB80;
	[dreg:$0x16] =	wrdreg s30  }
0x19: {  	s7 =	simm.s32 $0x800;
	[dreg:$0x17] =	wrdreg s31  }
0x1a: {  	s8 =	simm.s32 $0xC00;
	s9 =	simm.s32 $0xC80;
	[dreg:$0x19] =	wrdreg s7  }
0x1b: {  	s6 =	smul.u32 $0x180, s5;
	s5 =	sadd.s32 s5, s3;
	[dreg:$0x1a] =	wrdreg s8  }
0x1c: {  	s5 =	sadd.s32 $0x497200, s5;
	[dreg:$0x1b] =	wrdreg s9  }
0x1d: {  	s11 =	simm.s32 $0x1480;
	[dreg:$0x2] =	wrdreg s5  }
0x1e: {  	s12 =	simm.s32 $0xD00;
	[dreg:$0x1d] =	wrdreg s11  }
0x1f: {  	s13 =	simm.s32 $0x1100;
	[dreg:$0x1e] =	wrdreg s12  }
0x20: {  	s14 =	simm.s32 $0x1500;
	[dreg:$0x1f] =	wrdreg s13  }
0x21: {  	s15 =	simm.s32 $0xD80;
	[smem:$0x7BB] =	sst s14  }
0x22: {  	s16 =	simm.s32 $0x1180;
	[smem:$0x7BC] =	sst s15  }
0x23: {  	s17 =	simm.s32 $0x1580;
	[smem:$0x7BD] =	sst s16  }
0x24: {  	s18 =	simm.s32 $0xE00;
	[smem:$0x7BE] =	sst s17  }
0x25: {  	s19 =	simm.s32 $0x1200;
	[smem:$0x7BF] =	sst s18  }
0x26: {  	s20 =	simm.s32 $0x1600;
	[smem:$0x7C0] =	sst s19  }
0x27: {  	s21 =	simm.s32 $0xE80;
	[smem:$0x7C1] =	sst s20  }
0x28: {  	s22 =	simm.s32 $0x1280;
	[smem:$0x7C2] =	sst s21  }
0x29: {  	s23 =	simm.s32 $0x1680;
	[smem:$0x7C3] =	sst s22  }
0x2a: {  	s24 =	simm.s32 $0xF00;
	[smem:$0x7C4] =	sst s23  }
0x2b: {  	s25 =	simm.s32 $0x1300;
	[smem:$0x7C5] =	sst s24  }
0x2c: {  	s26 =	simm.s32 $0x1700;
	[smem:$0x7C6] =	sst s25  }
0x2d: {  	s28 =	simm.s32 $0xF80;
	[smem:$0x7C7] =	sst s26  }
0x2e: {  	s29 =	simm.s32 $0x1380;
	[smem:$0x7C8] =	sst s28  }
0x2f: {  	s30 =	simm.s32 $0x1780;
	[smem:$0x7C9] =	sst s29  }
0x30: {  	s31 =	simm.s32 $0x1000;
	[smem:$0x7CA] =	sst s30  }
0x31: {  	s7 =	simm.s32 $0x1800;
	[smem:$0x7CB] =	sst s31  }
0x32: {  	s8 =	simm.s32 $0x1880;
	[smem:$0x7CD] =	sst s7  }
0x33: {  	s9 =	simm.s32 $0x1C80;
	[smem:$0x7CE] =	sst s8  }
0x34: {  	[smem:$0x7CF] =	sst s9;
	s11 =	simm.s32 $0x1900  }
0x35: {  	s12 =	simm.s32 $0x1D00;
	[smem:$0x7D1] =	sst s11  }
0x36: {  	s13 =	simm.s32 $0x2100;
	[smem:$0x7D2] =	sst s12  }
0x37: {  	s14 =	simm.s32 $0x1980;
	[smem:$0x7D3] =	sst s13  }
0x38: {  	s15 =	simm.s32 $0x1D80;
	[smem:$0x7D4] =	sst s14  }
0x39: {  	s16 =	simm.s32 $0x2180;
	[smem:$0x7D5] =	sst s15  }
0x3a: {  	s17 =	simm.s32 $0x1A00;
	[smem:$0x7D6] =	sst s16  }
0x3b: {  	s18 =	simm.s32 $0x1E00;
	[smem:$0x7D7] =	sst s17  }
0x3c: {  	s19 =	simm.s32 $0x2200;
	[smem:$0x7D8] =	sst s18  }
0x3d: {  	s20 =	simm.s32 $0x1A80;
	[smem:$0x7D9] =	sst s19  }
0x3e: {  	s21 =	simm.s32 $0x1E80;
	[smem:$0x7DA] =	sst s20  }
0x3f: {  	s22 =	simm.s32 $0x2280;
	[smem:$0x7DB] =	sst s21  }
0x40: {  	s23 =	simm.s32 $0x1B00;
	[smem:$0x7DC] =	sst s22  }
0x41: {  	s24 =	simm.s32 $0x1F00;
	[smem:$0x7DD] =	sst s23  }
0x42: {  	s25 =	simm.s32 $0x2300;
	[smem:$0x7DE] =	sst s24  }
0x43: {  	s26 =	simm.s32 $0x1B80;
	[smem:$0x7DF] =	sst s25  }
0x44: {  	s28 =	simm.s32 $0x1F80;
	[smem:$0x7E0] =	sst s26  }
0x45: {  	s29 =	simm.s32 $0x2380;
	[smem:$0x7E1] =	sst s28  }
0x46: {  	s30 =	simm.s32 $0x1C00;
	[smem:$0x7E2] =	sst s29  }
0x47: {  	s31 =	simm.s32 $0x2000;
	[smem:$0x7E3] =	sst s30  }
0x48: {  	s7 =	simm.s32 $0x2480;
	[smem:$0x7E4] =	sst s31  }
0x49: {  	s8 =	simm.s32 $0x2880;
	[smem:$0x7E6] =	sst s7  }
0x4a: {  	s6 =	sadd.s32 s6, s3;
	s9 =	simm.s32 $0x2C80;
	[smem:$0x7E7] =	sst s8  }
0x4b: {  	s10 =	sadd.s32 $0x497400, s6;
	[smem:$0x7E8] =	sst s9  }
0x4c: {  	s6 =	simm.s32 $0x400;
	[dreg:$0x3] =	wrdreg s10  }
0x4d: {  	s11 =	simm.s32 $0x2900;
	[dreg:$0x18] =	wrdreg s6  }
0x4e: {  	s12 =	simm.s32 $0x2D00;
	[smem:$0x7EA] =	sst s11  }
0x4f: {  	s13 =	simm.s32 $0x2580;
	[smem:$0x7EB] =	sst s12  }
0x50: {  	s14 =	simm.s32 $0x2980;
	[smem:$0x7EC] =	sst s13  }
0x51: {  	s15 =	simm.s32 $0x2D80;
	[smem:$0x7ED] =	sst s14  }
0x52: {  	s16 =	simm.s32 $0x2600;
	[smem:$0x7EE] =	sst s15  }
0x53: {  	s17 =	simm.s32 $0x2A00;
	[smem:$0x7EF] =	sst s16  }
0x54: {  	s18 =	simm.s32 $0x2E00;
	[smem:$0x7F0] =	sst s17  }
0x55: {  	s19 =	simm.s32 $0x2680;
	[smem:$0x7F1] =	sst s18  }
0x56: {  	s20 =	simm.s32 $0x2A80;
	[smem:$0x7F2] =	sst s19  }
0x57: {  	s21 =	simm.s32 $0x2E80;
	[smem:$0x7F3] =	sst s20  }
0x58: {  	s22 =	simm.s32 $0x2700;
	[smem:$0x7F4] =	sst s21  }
0x59: {  	s23 =	simm.s32 $0x2B00;
	[smem:$0x7F5] =	sst s22  }
0x5a: {  	s24 =	simm.s32 $0x2F00;
	[smem:$0x7F6] =	sst s23  }
0x5b: {  	s25 =	simm.s32 $0x2780;
	[smem:$0x7F7] =	sst s24  }
0x5c: {  	s26 =	simm.s32 $0x2B80;
	[smem:$0x7F8] =	sst s25  }
0x5d: {  	s29 =	simm.s32 $0x2F80;
	[smem:$0x7F9] =	sst s26  }
0x5e: {  	s30 =	simm.s32 $0x2800;
	[smem:$0x7FA] =	sst s29  }
0x5f: {  	s31 =	simm.s32 $0x2C00;
	[smem:$0x7FB] =	sst s30  }
0x60: {  	s4 =	ssub.s32 $0x2, s4;
	s7 =	simm.s32 $0x3000;
	[smem:$0x7FC] =	sst s31  }
0x61: {  	s3 =	sadd.s32 $0x3400, s3;
	s10 =	simm.s32 $0x1080;
	[smem:$0x7FD] =	sst s7  }
0x62: {  	s5 =	simm.s32 $0x2;
	s6 =	simm.s32 $0x1400;
	[dreg:$0x1c] =	wrdreg s10  }
0x63: {  	s28 =	sshrl.u32 s4, $0x1;
	[smem:$0x7CC] =	sst s6;
	s10 =	simm.s32 $0x2080  }
0x64: {  	s4 =	ssub.s32 s4, s28;
	s6 =	simm.s32 $0x2400;
	[smem:$0x7D0] =	sst s10  }
0x65: {  	s7 =	simm.s32 $0x1;
	[smem:$0x7E5] =	sst s6;
	s10 =	simm.s32 $0x2500  }
0x66: {  	s4 =	smax.u32 s4, $0x1;
	s6 =	simm.s32 $0x80;
	[smem:$0x7E9] =	sst s10  }
.LBB2_1:
0x67: {  	s8 =	rddreg [dreg:$0x2]  }
0x68: {  	[tilespmem:s2], [sflag:$0x2] =	stream.linear.gather [hbm4b:s8+s2], $0x20, $0x38;
	[tilespmem:$0x3080] =	vst v63  }
0x69: {  	_ =	swait.ge [sflag:s5], $0x20  }
0x6a: {  	[sflag:s5] =	ssyncset.done $0x0  }
0x6b: {  	[sflag:s5] =	ssyncadd.s32 $0xFFFFFFE0  }
0x6c: {  	v0 =	vld [tilespmem:$0x0];
	_ =	sdelay $0x4  }
0x6d: {  	(v2sf) =	vpush v0, $0x0;
	_ =	sdelay $0x7  }
0x6e: {  	(v2sf) =	vpush v0, $0x1;
	_ =	sdelay $0x6  }
0x6f: {  	s22 =	spop (v2sf)  }
0x70: {  	s9 =	sshrl.u32 s22, $0x3  }
0x71: {  	s8 =	sshll.u32 s22, $0x7;
	s9 =	smul.u32 $0xC00, s9  }
0x72: {  	(v2sf) =	vpush v0, $0x2;
	s8 =	sand.u32 $0x380, s8  }
0x73: {  	s8 =	sor.u32 s8, s9  }
0x74: {  	s8 =	sshrl.u32 s8, $0x3  }
0x75: {  	s8 =	sadd.s32 s3, s8  }
0x76: {  	[tilespmem:s6], [sflag:$0x1] =	stream.linear.gather [hbm4b:s8+s2], $0x80, $0x38;
	[tilespmem:$0x3080] =	vst v63  }
0x77: {  	s23 =	rddreg [dreg:$0x4];
	s24 =	spop (v2sf);
	s10 =	sadd.s32 $0x80, s8  }
0x78: {  	[tilespmem:s23], [sflag:$0x1] =	stream.linear.gather [hbm4b:s10+s2], $0x80, $0x38;
	[tilespmem:$0x3080] =	vst v63  }
0x79: {  	s11 =	rddreg [dreg:$0x5];
	s25 =	sshrl.u32 s24, $0x3;
	s8 =	sadd.s32 $0x100, s8  }
0x7a: {  	[tilespmem:s11], [sflag:$0x1] =	stream.linear.gather [hbm4b:s8+s2], $0x80, $0x38;
	[tilespmem:$0x3080] =	vst v63  }
0x7b: {  	s9 =	smul.u32 $0xC00, s25;
	s8 =	sshll.u32 s24, $0x7  }
0x7c: {  	(v2sf) =	vpush v0, $0x3;
	s8 =	sand.u32 $0x380, s8  }
0x7d: {  	s8 =	sor.u32 s8, s9  }
0x7e: {  	s8 =	sshrl.u32 s8, $0x3  }
0x7f: {  	s26 =	rddreg [dreg:$0x6];
	s8 =	sadd.s32 s3, s8  }
0x80: {  	[tilespmem:s26], [sflag:$0x1] =	stream.linear.gather [hbm4b:s8+s2], $0x80, $0x38;
	[tilespmem:$0x3080] =	vst v63  }
0x81: {  	s28 =	rddreg [dreg:$0x7];
	s31 =	spop (v2sf);
	s29 =	sadd.s32 $0x80, s8  }
0x82: {  	[tilespmem:s28], [sflag:$0x1] =	stream.linear.gather [hbm4b:s29+s2], $0x80, $0x38;
	[tilespmem:$0x3080] =	vst v63  }
0x83: {  	s30 =	rddreg [dreg:$0x8];
	s8 =	sadd.s32 $0x100, s8;
	s10 =	sshrl.u32 s31, $0x3  }
0x84: {  	[tilespmem:s30], [sflag:$0x1] =	stream.linear.gather [hbm4b:s8+s2], $0x80, $0x38;
	[tilespmem:$0x3080] =	vst v63  }
0x85: {  	s9 =	smul.u32 $0xC00, s10;
	s8 =	sshll.u32 s31, $0x7  }
0x86: {  	(v2sf) =	vpush v0, $0x4;
	s8 =	sand.u32 $0x380, s8  }
0x87: {  	s8 =	sor.u32 s8, s9  }
0x88: {  	s8 =	sshrl.u32 s8, $0x3  }
0x89: {  	s11 =	rddreg [dreg:$0x9];
	s8 =	sadd.s32 s3, s8  }
0x8a: {  	[tilespmem:s11], [sflag:$0x1] =	stream.linear.gather [hbm4b:s8+s2], $0x80, $0x38;
	[tilespmem:$0x3080] =	vst v63  }
0x8b: {  	s12 =	rddreg [dreg:$0xa];
	s15 =	spop (v2sf);
	s13 =	sadd.s32 $0x80, s8  }
0x8c: {  	[tilespmem:s12], [sflag:$0x1] =	stream.linear.gather [hbm4b:s13+s2], $0x80, $0x38;
	[tilespmem:$0x3080] =	vst v63  }
0x8d: {  	s14 =	rddreg [dreg:$0xb];
	s16 =	sshrl.u32 s15, $0x3;
	s8 =	sadd.s32 $0x100, s8  }
0x8e: {  	[tilespmem:s14], [sflag:$0x1] =	stream.linear.gather [hbm4b:s8+s2], $0x80, $0x38;
	[tilespmem:$0x3080] =	vst v63  }
0x8f: {  	s9 =	smul.u32 $0xC00, s16;
	s8 =	sshll.u32 s15, $0x7  }
0x90: {  	(v2sf) =	vpush v0, $0x5;
	s8 =	sand.u32 $0x380, s8  }
0x91: {  	s8 =	sor.u32 s8, s9  }
0x92: {  	s8 =	sshrl.u32 s8, $0x3  }
0x93: {  	s17 =	rddreg [dreg:$0xc];
	s8 =	sadd.s32 s3, s8  }
0x94: {  	[tilespmem:s17], [sflag:$0x1] =	stream.linear.gather [hbm4b:s8+s2], $0x80, $0x38;
	[tilespmem:$0x3080] =	vst v63  }
0x95: {  	s18 =	rddreg [dreg:$0xd];
	s21 =	spop (v2sf);
	s19 =	sadd.s32 $0x80, s8  }
0x96: {  	[tilespmem:s18], [sflag:$0x1] =	stream.linear.gather [hbm4b:s19+s2], $0x80, $0x38;
	[tilespmem:$0x3080] =	vst v63  }
0x97: {  	s20 =	rddreg [dreg:$0xe];
	s22 =	sshrl.u32 s21, $0x3;
	s8 =	sadd.s32 $0x100, s8  }
0x98: {  	[tilespmem:s20], [sflag:$0x1] =	stream.linear.gather [hbm4b:s8+s2], $0x80, $0x38;
	[tilespmem:$0x3080] =	vst v63  }
0x99: {  	s9 =	smul.u32 $0xC00, s22;
	s8 =	sshll.u32 s21, $0x7  }
0x9a: {  	(v2sf) =	vpush v0, $0x6;
	s8 =	sand.u32 $0x380, s8  }
0x9b: {  	s8 =	sor.u32 s8, s9  }
0x9c: {  	s8 =	sshrl.u32 s8, $0x3  }
0x9d: {  	s23 =	rddreg [dreg:$0xf];
	s8 =	sadd.s32 s3, s8  }
0x9e: {  	[tilespmem:s23], [sflag:$0x1] =	stream.linear.gather [hbm4b:s8+s2], $0x80, $0x38;
	[tilespmem:$0x3080] =	vst v63  }
0x9f: {  	s24 =	rddreg [dreg:$0x10];
	s28 =	spop (v2sf);
	s25 =	sadd.s32 $0x80, s8  }
0xa0: {  	[tilespmem:s24], [sflag:$0x1] =	stream.linear.gather [hbm4b:s25+s2], $0x80, $0x38;
	[tilespmem:$0x3080] =	vst v63  }
0xa1: {  	s26 =	rddreg [dreg:$0x11];
	s29 =	sshrl.u32 s28, $0x3;
	s8 =	sadd.s32 $0x100, s8  }
0xa2: {  	[tilespmem:s26], [sflag:$0x1] =	stream.linear.gather [hbm4b:s8+s2], $0x80, $0x38;
	[tilespmem:$0x3080] =	vst v63  }
0xa3: {  	s9 =	smul.u32 $0xC00, s29;
	s8 =	sshll.u32 s28, $0x7  }
0xa4: {  	(v2sf) =	vpush v0, $0x7;
	s8 =	sand.u32 $0x380, s8  }
0xa5: {  	s8 =	sor.u32 s8, s9  }
0xa6: {  	s8 =	sshrl.u32 s8, $0x3  }
0xa7: {  	s30 =	rddreg [dreg:$0x12];
	s8 =	sadd.s32 s3, s8  }
0xa8: {  	[tilespmem:s30], [sflag:$0x1] =	stream.linear.gather [hbm4b:s8+s2], $0x80, $0x38;
	[tilespmem:$0x3080] =	vst v63  }
0xa9: {  	s31 =	rddreg [dreg:$0x13];
	s13 =	spop (v2sf);
	s11 =	sadd.s32 $0x80, s8  }
0xaa: {  	[tilespmem:s31], [sflag:$0x1] =	stream.linear.gather [hbm4b:s11+s2], $0x80, $0x38;
	[tilespmem:$0x3080] =	vst v63  }
0xab: {  	s12 =	rddreg [dreg:$0x14];
	s14 =	sshrl.u32 s13, $0x3;
	s8 =	sadd.s32 $0x100, s8  }
0xac: {  	[tilespmem:s12], [sflag:$0x1] =	stream.linear.gather [hbm4b:s8+s2], $0x80, $0x38;
	[tilespmem:$0x3080] =	vst v63  }
0xad: {  	s9 =	smul.u32 $0xC00, s14;
	s8 =	sshll.u32 s13, $0x7  }
0xae: {  	(v2sf) =	vpush v0, $0x8;
	s8 =	sand.u32 $0x380, s8  }
0xaf: {  	s8 =	sor.u32 s8, s9  }
0xb0: {  	s8 =	sshrl.u32 s8, $0x3  }
0xb1: {  	s15 =	rddreg [dreg:$0x15];
	s8 =	sadd.s32 s3, s8  }
0xb2: {  	[tilespmem:s15], [sflag:$0x1] =	stream.linear.gather [hbm4b:s8+s2], $0x80, $0x38;
	[tilespmem:$0x3080] =	vst v63  }
0xb3: {  	s16 =	rddreg [dreg:$0x16];
	s19 =	spop (v2sf);
	s17 =	sadd.s32 $0x80, s8  }
0xb4: {  	[tilespmem:s16], [sflag:$0x1] =	stream.linear.gather [hbm4b:s17+s2], $0x80, $0x38;
	[tilespmem:$0x3080] =	vst v63  }
0xb5: {  	s18 =	rddreg [dreg:$0x17];
	s20 =	sshrl.u32 s19, $0x3;
	s8 =	sadd.s32 $0x100, s8  }
0xb6: {  	[tilespmem:s18], [sflag:$0x1] =	stream.linear.gather [hbm4b:s8+s2], $0x80, $0x38;
	[tilespmem:$0x3080] =	vst v63  }
0xb7: {  	s9 =	smul.u32 $0xC00, s20;
	s8 =	sshll.u32 s19, $0x7  }
0xb8: {  	(v2sf) =	vpush v0, $0x9;
	s8 =	sand.u32 $0x380, s8  }
0xb9: {  	s8 =	sor.u32 s8, s9  }
0xba: {  	s8 =	sshrl.u32 s8, $0x3  }
0xbb: {  	s21 =	rddreg [dreg:$0x18];
	s8 =	sadd.s32 s3, s8  }
0xbc: {  	[tilespmem:s21], [sflag:$0x1] =	stream.linear.gather [hbm4b:s8+s2], $0x80, $0x38;
	[tilespmem:$0x3080] =	vst v63  }
0xbd: {  	s22 =	rddreg [dreg:$0x19];
	s25 =	spop (v2sf);
	s23 =	sadd.s32 $0x80, s8  }
0xbe: {  	[tilespmem:s22], [sflag:$0x1] =	stream.linear.gather [hbm4b:s23+s2], $0x80, $0x38;
	[tilespmem:$0x3080] =	vst v63  }
0xbf: {  	s24 =	rddreg [dreg:$0x1a];
	s26 =	sshrl.u32 s25, $0x3;
	s8 =	sadd.s32 $0x100, s8  }
0xc0: {  	[tilespmem:s24], [sflag:$0x1] =	stream.linear.gather [hbm4b:s8+s2], $0x80, $0x38;
	[tilespmem:$0x3080] =	vst v63  }
0xc1: {  	s9 =	smul.u32 $0xC00, s26;
	s8 =	sshll.u32 s25, $0x7  }
0xc2: {  	(v2sf) =	vpush v0, $0xA;
	s8 =	sand.u32 $0x380, s8  }
0xc3: {  	s8 =	sor.u32 s8, s9  }
0xc4: {  	s8 =	sshrl.u32 s8, $0x3  }
0xc5: {  	s28 =	rddreg [dreg:$0x1b];
	s8 =	sadd.s32 s3, s8  }
0xc6: {  	[tilespmem:s28], [sflag:$0x1] =	stream.linear.gather [hbm4b:s8+s2], $0x80, $0x38;
	[tilespmem:$0x3080] =	vst v63  }
0xc7: {  	s29 =	rddreg [dreg:$0x1c];
	s12 =	spop (v2sf);
	s30 =	sadd.s32 $0x80, s8  }
0xc8: {  	[tilespmem:s29], [sflag:$0x1] =	stream.linear.gather [hbm4b:s30+s2], $0x80, $0x38;
	[tilespmem:$0x3080] =	vst v63  }
0xc9: {  	s31 =	rddreg [dreg:$0x1d];
	s13 =	sshrl.u32 s12, $0x3;
	s8 =	sadd.s32 $0x100, s8  }
0xca: {  	[tilespmem:s31], [sflag:$0x1] =	stream.linear.gather [hbm4b:s8+s2], $0x80, $0x38;
	[tilespmem:$0x3080] =	vst v63  }
0xcb: {  	s9 =	smul.u32 $0xC00, s13;
	s8 =	sshll.u32 s12, $0x7  }
0xcc: {  	(v2sf) =	vpush v0, $0xB;
	s8 =	sand.u32 $0x380, s8  }
0xcd: {  	s8 =	sor.u32 s8, s9  }
0xce: {  	s14 =	rddreg [dreg:$0x1e];
	s8 =	sshrl.u32 s8, $0x3  }
0xcf: {  	s15 =	rddreg [dreg:$0x1f];
	s8 =	sadd.s32 s3, s8  }
0xd0: {  	[tilespmem:s14], [sflag:$0x1] =	stream.linear.gather [hbm4b:s8+s2], $0x80, $0x38;
	[tilespmem:$0x3080] =	vst v63  }
0xd1: {  	s17 =	sld [smem:$0x7BB];
	s18 =	spop (v2sf);
	s16 =	sadd.s32 $0x80, s8  }
0xd2: {  	[tilespmem:s15], [sflag:$0x1] =	stream.linear.gather [hbm4b:s16+s2], $0x80, $0x38;
	[tilespmem:$0x3080] =	vst v63  }
0xd3: {  	s19 =	sshrl.u32 s18, $0x3;
	s8 =	sadd.s32 $0x100, s8  }
0xd4: {  	[tilespmem:s17], [sflag:$0x1] =	stream.linear.gather [hbm4b:s8+s2], $0x80, $0x38;
	[tilespmem:$0x3080] =	vst v63  }
0xd5: {  	s9 =	smul.u32 $0xC00, s19;
	s8 =	sshll.u32 s18, $0x7  }
0xd6: {  	(v2sf) =	vpush v0, $0xC;
	s8 =	sand.u32 $0x380, s8  }
0xd7: {  	s20 =	sld [smem:$0x7BC];
	s8 =	sor.u32 s8, s9  }
0xd8: {  	s8 =	sshrl.u32 s8, $0x3  }
0xd9: {  	s21 =	sld [smem:$0x7BD];
	s8 =	sadd.s32 s3, s8  }
0xda: {  	[tilespmem:s20], [sflag:$0x1] =	stream.linear.gather [hbm4b:s8+s2], $0x80, $0x38;
	[tilespmem:$0x3080] =	vst v63  }
0xdb: {  	s23 =	sld [smem:$0x7BE];
	s24 =	spop (v2sf);
	s22 =	sadd.s32 $0x80, s8  }
0xdc: {  	[tilespmem:s21], [sflag:$0x1] =	stream.linear.gather [hbm4b:s22+s2], $0x80, $0x38;
	[tilespmem:$0x3080] =	vst v63  }
0xdd: {  	s25 =	sshrl.u32 s24, $0x3;
	s8 =	sadd.s32 $0x100, s8  }
0xde: {  	[tilespmem:s23], [sflag:$0x1] =	stream.linear.gather [hbm4b:s8+s2], $0x80, $0x38;
	[tilespmem:$0x3080] =	vst v63  }
0xdf: {  	s9 =	smul.u32 $0xC00, s25;
	s8 =	sshll.u32 s24, $0x7  }
0xe0: {  	(v2sf) =	vpush v0, $0xD;
	s8 =	sand.u32 $0x380, s8  }
0xe1: {  	s26 =	sld [smem:$0x7BF];
	s8 =	sor.u32 s8, s9  }
0xe2: {  	s8 =	sshrl.u32 s8, $0x3  }
0xe3: {  	s28 =	sld [smem:$0x7C0];
	s8 =	sadd.s32 s3, s8  }
0xe4: {  	[tilespmem:s26], [sflag:$0x1] =	stream.linear.gather [hbm4b:s8+s2], $0x80, $0x38;
	[tilespmem:$0x3080] =	vst v63  }
0xe5: {  	s30 =	sld [smem:$0x7C1];
	s31 =	spop (v2sf);
	s29 =	sadd.s32 $0x80, s8  }
0xe6: {  	[tilespmem:s28], [sflag:$0x1] =	stream.linear.gather [hbm4b:s29+s2], $0x80, $0x38;
	[tilespmem:$0x3080] =	vst v63  }
0xe7: {  	s10 =	sshrl.u32 s31, $0x3;
	s8 =	sadd.s32 $0x100, s8  }
0xe8: {  	[tilespmem:s30], [sflag:$0x1] =	stream.linear.gather [hbm4b:s8+s2], $0x80, $0x38;
	[tilespmem:$0x3080] =	vst v63  }
0xe9: {  	s9 =	smul.u32 $0xC00, s10;
	s8 =	sshll.u32 s31, $0x7  }
0xea: {  	(v2sf) =	vpush v0, $0xE;
	s8 =	sand.u32 $0x380, s8  }
0xeb: {  	s11 =	sld [smem:$0x7C2];
	s8 =	sor.u32 s8, s9  }
0xec: {  	s8 =	sshrl.u32 s8, $0x3  }
0xed: {  	s12 =	sld [smem:$0x7C3];
	s8 =	sadd.s32 s3, s8  }
0xee: {  	[tilespmem:s11], [sflag:$0x1] =	stream.linear.gather [hbm4b:s8+s2], $0x80, $0x38;
	[tilespmem:$0x3080] =	vst v63  }
0xef: {  	s14 =	sld [smem:$0x7C4];
	s15 =	spop (v2sf);
	s13 =	sadd.s32 $0x80, s8  }
0xf0: {  	[tilespmem:s12], [sflag:$0x1] =	stream.linear.gather [hbm4b:s13+s2], $0x80, $0x38;
	[tilespmem:$0x3080] =	vst v63  }
0xf1: {  	s16 =	sshrl.u32 s15, $0x3;
	s8 =	sadd.s32 $0x100, s8  }
0xf2: {  	[tilespmem:s14], [sflag:$0x1] =	stream.linear.gather [hbm4b:s8+s2], $0x80, $0x38;
	[tilespmem:$0x3080] =	vst v63  }
0xf3: {  	s9 =	smul.u32 $0xC00, s16;
	s8 =	sshll.u32 s15, $0x7  }
0xf4: {  	(v2sf) =	vpush v0, $0xF;
	s8 =	sand.u32 $0x380, s8  }
0xf5: {  	s17 =	sld [smem:$0x7C5];
	s8 =	sor.u32 s8, s9  }
0xf6: {  	s8 =	sshrl.u32 s8, $0x3  }
0xf7: {  	s18 =	sld [smem:$0x7C6];
	s8 =	sadd.s32 s3, s8  }
0xf8: {  	[tilespmem:s17], [sflag:$0x1] =	stream.linear.gather [hbm4b:s8+s2], $0x80, $0x38;
	[tilespmem:$0x3080] =	vst v63  }
0xf9: {  	s20 =	sld [smem:$0x7C7];
	s21 =	spop (v2sf);
	s19 =	sadd.s32 $0x80, s8  }
0xfa: {  	[tilespmem:s18], [sflag:$0x1] =	stream.linear.gather [hbm4b:s19+s2], $0x80, $0x38;
	[tilespmem:$0x3080] =	vst v63  }
0xfb: {  	s22 =	sshrl.u32 s21, $0x3;
	s8 =	sadd.s32 $0x100, s8  }
0xfc: {  	[tilespmem:s20], [sflag:$0x1] =	stream.linear.gather [hbm4b:s8+s2], $0x80, $0x38;
	[tilespmem:$0x3080] =	vst v63  }
0xfd: {  	s9 =	smul.u32 $0xC00, s22;
	s8 =	sshll.u32 s21, $0x7  }
0xfe: {  	s8 =	sand.u32 $0x380, s8  }
0xff: {  	s23 =	sld [smem:$0x7C8];
	s8 =	sor.u32 s8, s9  }
0x100: {  	s8 =	sshrl.u32 s8, $0x3  }
0x101: {  	s24 =	sld [smem:$0x7C9];
	s8 =	sadd.s32 s3, s8  }
0x102: {  	[tilespmem:s23], [sflag:$0x1] =	stream.linear.gather [hbm4b:s8+s2], $0x80, $0x38;
	[tilespmem:$0x3080] =	vst v63  }
0x103: {  	s26 =	sld [smem:$0x7CA];
	s28 =	spop (v2sf);
	s25 =	sadd.s32 $0x80, s8  }
0x104: {  	[tilespmem:s24], [sflag:$0x1] =	stream.linear.gather [hbm4b:s25+s2], $0x80, $0x38;
	[tilespmem:$0x3080] =	vst v63  }
0x105: {  	s29 =	sshrl.u32 s28, $0x3;
	s8 =	sadd.s32 $0x100, s8  }
0x106: {  	[tilespmem:s26], [sflag:$0x1] =	stream.linear.gather [hbm4b:s8+s2], $0x80, $0x38;
	[tilespmem:$0x3080] =	vst v63  }
0x107: {  	s9 =	smul.u32 $0xC00, s29;
	s8 =	sshll.u32 s28, $0x7  }
0x108: {  	s8 =	sand.u32 $0x380, s8  }
0x109: {  	s30 =	sld [smem:$0x7CB];
	s8 =	sor.u32 s8, s9  }
0x10a: {  	s8 =	sshrl.u32 s8, $0x3  }
0x10b: {  	s31 =	sld [smem:$0x7CC];
	s8 =	sadd.s32 s3, s8  }
0x10c: {  	[tilespmem:s30], [sflag:$0x1] =	stream.linear.gather [hbm4b:s8+s2], $0x80, $0x38;
	[tilespmem:$0x3080] =	vst v63  }
0x10d: {  	s12 =	sld [smem:$0x7CD];
	s11 =	sadd.s32 $0x80, s8  }
0x10e: {  	[tilespmem:s31], [sflag:$0x1] =	stream.linear.gather [hbm4b:s11+s2], $0x80, $0x38;
	[tilespmem:$0x3080] =	vst v63  }
0x10f: {  	s8 =	sadd.s32 $0x100, s8  }
0x110: {  	[tilespmem:s12], [sflag:$0x1] =	stream.linear.gather [hbm4b:s8+s2], $0x80, $0x38;
	[tilespmem:$0x3080] =	vst v63  }
0x111: {  	v63 =	vld [tilespmem:$0x10];
	_ =	sdelay $0x4  }
0x112: {  	(v2sf) =	vpush v63, $0x0;
	_ =	sdelay $0x7  }
0x113: {  	(v2sf) =	vpush v63, $0x1;
	_ =	sdelay $0x6  }
0x114: {  	s13 =	spop (v2sf)  }
0x115: {  	s14 =	sshrl.u32 s13, $0x3  }
0x116: {  	s8 =	sshll.u32 s13, $0x7;
	s9 =	smul.u32 $0xC00, s14  }
0x117: {  	(v2sf) =	vpush v63, $0x2;
	s8 =	sand.u32 $0x380, s8  }
0x118: {  	s15 =	sld [smem:$0x7CE];
	s8 =	sor.u32 s8, s9  }
0x119: {  	s8 =	sshrl.u32 s8, $0x3  }
0x11a: {  	s16 =	sld [smem:$0x7CF];
	s8 =	sadd.s32 s3, s8  }
0x11b: {  	[tilespmem:s15], [sflag:$0x1] =	stream.linear.gather [hbm4b:s8+s2], $0x80, $0x38;
	[tilespmem:$0x3080] =	vst v63  }
0x11c: {  	s18 =	sld [smem:$0x7D0];
	s19 =	spop (v2sf);
	s17 =	sadd.s32 $0x80, s8  }
0x11d: {  	[tilespmem:s16], [sflag:$0x1] =	stream.linear.gather [hbm4b:s17+s2], $0x80, $0x38;
	[tilespmem:$0x3080] =	vst v63  }
0x11e: {  	s20 =	sshrl.u32 s19, $0x3;
	s8 =	sadd.s32 $0x100, s8  }
0x11f: {  	[tilespmem:s18], [sflag:$0x1] =	stream.linear.gather [hbm4b:s8+s2], $0x80, $0x38;
	[tilespmem:$0x3080] =	vst v63  }
0x120: {  	s9 =	smul.u32 $0xC00, s20;
	s8 =	sshll.u32 s19, $0x7  }
0x121: {  	(v2sf) =	vpush v63, $0x3;
	s8 =	sand.u32 $0x380, s8  }
0x122: {  	s21 =	sld [smem:$0x7D1];
	s8 =	sor.u32 s8, s9  }
0x123: {  	s8 =	sshrl.u32 s8, $0x3  }
0x124: {  	s22 =	sld [smem:$0x7D2];
	s8 =	sadd.s32 s3, s8  }
0x125: {  	[tilespmem:s21], [sflag:$0x1] =	stream.linear.gather [hbm4b:s8+s2], $0x80, $0x38;
	[tilespmem:$0x3080] =	vst v63  }
0x126: {  	s24 =	sld [smem:$0x7D3];
	s25 =	spop (v2sf);
	s23 =	sadd.s32 $0x80, s8  }
0x127: {  	[tilespmem:s22], [sflag:$0x1] =	stream.linear.gather [hbm4b:s23+s2], $0x80, $0x38;
	[tilespmem:$0x3080] =	vst v63  }
0x128: {  	s8 =	sadd.s32 $0x100, s8;
	s26 =	sshrl.u32 s25, $0x3  }
0x129: {  	[tilespmem:s24], [sflag:$0x1] =	stream.linear.gather [hbm4b:s8+s2], $0x80, $0x38;
	[tilespmem:$0x3080] =	vst v63  }
0x12a: {  	s9 =	smul.u32 $0xC00, s26;
	s8 =	sshll.u32 s25, $0x7  }
0x12b: {  	(v2sf) =	vpush v63, $0x4;
	s8 =	sand.u32 $0x380, s8  }
0x12c: {  	s28 =	sld [smem:$0x7D4];
	s8 =	sor.u32 s8, s9  }
0x12d: {  	s8 =	sshrl.u32 s8, $0x3  }
0x12e: {  	s29 =	sld [smem:$0x7D5];
	s8 =	sadd.s32 s3, s8  }
0x12f: {  	[tilespmem:s28], [sflag:$0x1] =	stream.linear.gather [hbm4b:s8+s2], $0x80, $0x38;
	[tilespmem:$0x3080] =	vst v63  }
0x130: {  	s31 =	sld [smem:$0x7D6];
	s12 =	spop (v2sf);
	s30 =	sadd.s32 $0x80, s8  }
0x131: {  	[tilespmem:s29], [sflag:$0x1] =	stream.linear.gather [hbm4b:s30+s2], $0x80, $0x38;
	[tilespmem:$0x3080] =	vst v63  }
0x132: {  	s13 =	sshrl.u32 s12, $0x3;
	s8 =	sadd.s32 $0x100, s8  }
0x133: {  	[tilespmem:s31], [sflag:$0x1] =	stream.linear.gather [hbm4b:s8+s2], $0x80, $0x38;
	[tilespmem:$0x3080] =	vst v63  }
0x134: {  	s9 =	smul.u32 $0xC00, s13;
	s8 =	sshll.u32 s12, $0x7  }
0x135: {  	(v2sf) =	vpush v63, $0x5;
	s8 =	sand.u32 $0x380, s8  }
0x136: {  	s14 =	sld [smem:$0x7D7];
	s8 =	sor.u32 s8, s9  }
0x137: {  	s8 =	sshrl.u32 s8, $0x3  }
0x138: {  	s15 =	sld [smem:$0x7D8];
	s8 =	sadd.s32 s3, s8  }
0x139: {  	[tilespmem:s14], [sflag:$0x1] =	stream.linear.gather [hbm4b:s8+s2], $0x80, $0x38;
	[tilespmem:$0x3080] =	vst v63  }
0x13a: {  	s17 =	sld [smem:$0x7D9];
	s18 =	spop (v2sf);
	s16 =	sadd.s32 $0x80, s8  }
0x13b: {  	[tilespmem:s15], [sflag:$0x1] =	stream.linear.gather [hbm4b:s16+s2], $0x80, $0x38;
	[tilespmem:$0x3080] =	vst v63  }
0x13c: {  	s19 =	sshrl.u32 s18, $0x3;
	s8 =	sadd.s32 $0x100, s8  }
0x13d: {  	[tilespmem:s17], [sflag:$0x1] =	stream.linear.gather [hbm4b:s8+s2], $0x80, $0x38;
	[tilespmem:$0x3080] =	vst v63  }
0x13e: {  	s9 =	smul.u32 $0xC00, s19;
	s8 =	sshll.u32 s18, $0x7  }
0x13f: {  	(v2sf) =	vpush v63, $0x6;
	s8 =	sand.u32 $0x380, s8  }
0x140: {  	s20 =	sld [smem:$0x7DA];
	s8 =	sor.u32 s8, s9  }
0x141: {  	s8 =	sshrl.u32 s8, $0x3  }
0x142: {  	s21 =	sld [smem:$0x7DB];
	s8 =	sadd.s32 s3, s8  }
0x143: {  	[tilespmem:s20], [sflag:$0x1] =	stream.linear.gather [hbm4b:s8+s2], $0x80, $0x38;
	[tilespmem:$0x3080] =	vst v63  }
0x144: {  	s23 =	sld [smem:$0x7DC];
	s24 =	spop (v2sf);
	s22 =	sadd.s32 $0x80, s8  }
0x145: {  	[tilespmem:s21], [sflag:$0x1] =	stream.linear.gather [hbm4b:s22+s2], $0x80, $0x38;
	[tilespmem:$0x3080] =	vst v63  }
0x146: {  	s25 =	sshrl.u32 s24, $0x3;
	s8 =	sadd.s32 $0x100, s8  }
0x147: {  	[tilespmem:s23], [sflag:$0x1] =	stream.linear.gather [hbm4b:s8+s2], $0x80, $0x38;
	[tilespmem:$0x3080] =	vst v63  }
0x148: {  	s9 =	smul.u32 $0xC00, s25;
	s8 =	sshll.u32 s24, $0x7  }
0x149: {  	(v2sf) =	vpush v63, $0x7;
	s8 =	sand.u32 $0x380, s8  }
0x14a: {  	s26 =	sld [smem:$0x7DD];
	s8 =	sor.u32 s8, s9  }
0x14b: {  	s8 =	sshrl.u32 s8, $0x3  }
0x14c: {  	s28 =	sld [smem:$0x7DE];
	s8 =	sadd.s32 s3, s8  }
0x14d: {  	[tilespmem:s26], [sflag:$0x1] =	stream.linear.gather [hbm4b:s8+s2], $0x80, $0x38;
	[tilespmem:$0x3080] =	vst v63  }
0x14e: {  	s30 =	sld [smem:$0x7DF];
	s31 =	spop (v2sf);
	s29 =	sadd.s32 $0x80, s8  }
0x14f: {  	[tilespmem:s28], [sflag:$0x1] =	stream.linear.gather [hbm4b:s29+s2], $0x80, $0x38;
	[tilespmem:$0x3080] =	vst v63  }
0x150: {  	s10 =	sshrl.u32 s31, $0x3;
	s8 =	sadd.s32 $0x100, s8  }
0x151: {  	[tilespmem:s30], [sflag:$0x1] =	stream.linear.gather [hbm4b:s8+s2], $0x80, $0x38;
	[tilespmem:$0x3080] =	vst v63  }
0x152: {  	s9 =	smul.u32 $0xC00, s10;
	s8 =	sshll.u32 s31, $0x7  }
0x153: {  	(v2sf) =	vpush v63, $0x8;
	s8 =	sand.u32 $0x380, s8  }
0x154: {  	s11 =	sld [smem:$0x7E0];
	s8 =	sor.u32 s8, s9  }
0x155: {  	s8 =	sshrl.u32 s8, $0x3  }
0x156: {  	s12 =	sld [smem:$0x7E1];
	s8 =	sadd.s32 s3, s8  }
0x157: {  	[tilespmem:s11], [sflag:$0x1] =	stream.linear.gather [hbm4b:s8+s2], $0x80, $0x38;
	[tilespmem:$0x3080] =	vst v63  }
0x158: {  	s14 =	sld [smem:$0x7E2];
	s15 =	spop (v2sf);
	s13 =	sadd.s32 $0x80, s8  }
0x159: {  	[tilespmem:s12], [sflag:$0x1] =	stream.linear.gather [hbm4b:s13+s2], $0x80, $0x38;
	[tilespmem:$0x3080] =	vst v63  }
0x15a: {  	s16 =	sshrl.u32 s15, $0x3;
	s8 =	sadd.s32 $0x100, s8  }
0x15b: {  	[tilespmem:s14], [sflag:$0x1] =	stream.linear.gather [hbm4b:s8+s2], $0x80, $0x38;
	[tilespmem:$0x3080] =	vst v63  }
0x15c: {  	s9 =	smul.u32 $0xC00, s16;
	s8 =	sshll.u32 s15, $0x7  }
0x15d: {  	(v2sf) =	vpush v63, $0x9;
	s8 =	sand.u32 $0x380, s8  }
0x15e: {  	s17 =	sld [smem:$0x7E3];
	s8 =	sor.u32 s8, s9  }
0x15f: {  	s8 =	sshrl.u32 s8, $0x3  }
0x160: {  	s18 =	sld [smem:$0x7E4];
	s8 =	sadd.s32 s3, s8  }
0x161: {  	[tilespmem:s17], [sflag:$0x1] =	stream.linear.gather [hbm4b:s8+s2], $0x80, $0x38;
	[tilespmem:$0x3080] =	vst v63  }
0x162: {  	s20 =	sld [smem:$0x7E5];
	s21 =	spop (v2sf);
	s19 =	sadd.s32 $0x80, s8  }
0x163: {  	[tilespmem:s18], [sflag:$0x1] =	stream.linear.gather [hbm4b:s19+s2], $0x80, $0x38;
	[tilespmem:$0x3080] =	vst v63  }
0x164: {  	s22 =	sshrl.u32 s21, $0x3;
	s8 =	sadd.s32 $0x100, s8  }
0x165: {  	[tilespmem:s20], [sflag:$0x1] =	stream.linear.gather [hbm4b:s8+s2], $0x80, $0x38;
	[tilespmem:$0x3080] =	vst v63  }
0x166: {  	s9 =	smul.u32 $0xC00, s22;
	s8 =	sshll.u32 s21, $0x7  }
0x167: {  	(v2sf) =	vpush v63, $0xA;
	s8 =	sand.u32 $0x380, s8  }
0x168: {  	s23 =	sld [smem:$0x7E6];
	s8 =	sor.u32 s8, s9  }
0x169: {  	s8 =	sshrl.u32 s8, $0x3  }
0x16a: {  	s24 =	sld [smem:$0x7E7];
	s8 =	sadd.s32 s3, s8  }
0x16b: {  	[tilespmem:s23], [sflag:$0x1] =	stream.linear.gather [hbm4b:s8+s2], $0x80, $0x38;
	[tilespmem:$0x3080] =	vst v63  }
0x16c: {  	s26 =	sld [smem:$0x7E8];
	s28 =	spop (v2sf);
	s25 =	sadd.s32 $0x80, s8  }
0x16d: {  	[tilespmem:s24], [sflag:$0x1] =	stream.linear.gather [hbm4b:s25+s2], $0x80, $0x38;
	[tilespmem:$0x3080] =	vst v63  }
0x16e: {  	s29 =	sshrl.u32 s28, $0x3;
	s8 =	sadd.s32 $0x100, s8  }
0x16f: {  	[tilespmem:s26], [sflag:$0x1] =	stream.linear.gather [hbm4b:s8+s2], $0x80, $0x38;
	[tilespmem:$0x3080] =	vst v63  }
0x170: {  	s9 =	smul.u32 $0xC00, s29;
	s8 =	sshll.u32 s28, $0x7  }
0x171: {  	(v2sf) =	vpush v63, $0xB;
	s8 =	sand.u32 $0x380, s8  }
0x172: {  	s30 =	sld [smem:$0x7E9];
	s8 =	sor.u32 s8, s9  }
0x173: {  	s8 =	sshrl.u32 s8, $0x3  }
0x174: {  	s31 =	sld [smem:$0x7EA];
	s8 =	sadd.s32 s3, s8  }
0x175: {  	[tilespmem:s30], [sflag:$0x1] =	stream.linear.gather [hbm4b:s8+s2], $0x80, $0x38;
	[tilespmem:$0x3080] =	vst v63  }
0x176: {  	s12 =	sld [smem:$0x7EB];
	s13 =	spop (v2sf);
	s11 =	sadd.s32 $0x80, s8  }
0x177: {  	[tilespmem:s31], [sflag:$0x1] =	stream.linear.gather [hbm4b:s11+s2], $0x80, $0x38;
	[tilespmem:$0x3080] =	vst v63  }
0x178: {  	s14 =	sshrl.u32 s13, $0x3;
	s8 =	sadd.s32 $0x100, s8  }
0x179: {  	[tilespmem:s12], [sflag:$0x1] =	stream.linear.gather [hbm4b:s8+s2], $0x80, $0x38;
	[tilespmem:$0x3080] =	vst v63  }
0x17a: {  	s9 =	smul.u32 $0xC00, s14;
	s8 =	sshll.u32 s13, $0x7  }
0x17b: {  	(v2sf) =	vpush v63, $0xC;
	s8 =	sand.u32 $0x380, s8  }
0x17c: {  	s15 =	sld [smem:$0x7EC];
	s8 =	sor.u32 s8, s9  }
0x17d: {  	s8 =	sshrl.u32 s8, $0x3  }
0x17e: {  	s16 =	sld [smem:$0x7ED];
	s8 =	sadd.s32 s3, s8  }
0x17f: {  	[tilespmem:s15], [sflag:$0x1] =	stream.linear.gather [hbm4b:s8+s2], $0x80, $0x38;
	[tilespmem:$0x3080] =	vst v63  }
0x180: {  	s18 =	sld [smem:$0x7EE];
	s19 =	spop (v2sf);
	s17 =	sadd.s32 $0x80, s8  }
0x181: {  	[tilespmem:s16], [sflag:$0x1] =	stream.linear.gather [hbm4b:s17+s2], $0x80, $0x38;
	[tilespmem:$0x3080] =	vst v63  }
0x182: {  	s20 =	sshrl.u32 s19, $0x3;
	s8 =	sadd.s32 $0x100, s8  }
0x183: {  	[tilespmem:s18], [sflag:$0x1] =	stream.linear.gather [hbm4b:s8+s2], $0x80, $0x38;
	[tilespmem:$0x3080] =	vst v63  }
0x184: {  	s9 =	smul.u32 $0xC00, s20;
	s8 =	sshll.u32 s19, $0x7  }
0x185: {  	(v2sf) =	vpush v63, $0xD;
	s8 =	sand.u32 $0x380, s8  }
0x186: {  	s21 =	sld [smem:$0x7EF];
	s8 =	sor.u32 s8, s9  }
0x187: {  	s8 =	sshrl.u32 s8, $0x3  }
0x188: {  	s22 =	sld [smem:$0x7F0];
	s8 =	sadd.s32 s3, s8  }
0x189: {  	[tilespmem:s21], [sflag:$0x1] =	stream.linear.gather [hbm4b:s8+s2], $0x80, $0x38;
	[tilespmem:$0x3080] =	vst v63  }
0x18a: {  	s24 =	sld [smem:$0x7F1];
	s25 =	spop (v2sf);
	s23 =	sadd.s32 $0x80, s8  }
0x18b: {  	[tilespmem:s22], [sflag:$0x1] =	stream.linear.gather [hbm4b:s23+s2], $0x80, $0x38;
	[tilespmem:$0x3080] =	vst v63  }
0x18c: {  	s26 =	sshrl.u32 s25, $0x3;
	s8 =	sadd.s32 $0x100, s8  }
0x18d: {  	[tilespmem:s24], [sflag:$0x1] =	stream.linear.gather [hbm4b:s8+s2], $0x80, $0x38;
	[tilespmem:$0x3080] =	vst v63  }
0x18e: {  	s9 =	smul.u32 $0xC00, s26;
	s8 =	sshll.u32 s25, $0x7  }
0x18f: {  	(v2sf) =	vpush v63, $0xE;
	s8 =	sand.u32 $0x380, s8  }
0x190: {  	s28 =	sld [smem:$0x7F2];
	s8 =	sor.u32 s8, s9  }
0x191: {  	s8 =	sshrl.u32 s8, $0x3  }
0x192: {  	s29 =	sld [smem:$0x7F3];
	s8 =	sadd.s32 s3, s8  }
0x193: {  	[tilespmem:s28], [sflag:$0x1] =	stream.linear.gather [hbm4b:s8+s2], $0x80, $0x38;
	[tilespmem:$0x3080] =	vst v63  }
0x194: {  	s31 =	sld [smem:$0x7F4];
	s12 =	spop (v2sf);
	s30 =	sadd.s32 $0x80, s8  }
0x195: {  	[tilespmem:s29], [sflag:$0x1] =	stream.linear.gather [hbm4b:s30+s2], $0x80, $0x38;
	[tilespmem:$0x3080] =	vst v63  }
0x196: {  	s13 =	sshrl.u32 s12, $0x3;
	s8 =	sadd.s32 $0x100, s8  }
0x197: {  	[tilespmem:s31], [sflag:$0x1] =	stream.linear.gather [hbm4b:s8+s2], $0x80, $0x38;
	[tilespmem:$0x3080] =	vst v63  }
0x198: {  	s9 =	smul.u32 $0xC00, s13;
	s8 =	sshll.u32 s12, $0x7  }
0x199: {  	(v2sf) =	vpush v63, $0xF;
	s8 =	sand.u32 $0x380, s8  }
0x19a: {  	s14 =	sld [smem:$0x7F5];
	s8 =	sor.u32 s8, s9  }
0x19b: {  	s8 =	sshrl.u32 s8, $0x3  }
0x19c: {  	s15 =	sld [smem:$0x7F6];
	s8 =	sadd.s32 s3, s8  }
0x19d: {  	[tilespmem:s14], [sflag:$0x1] =	stream.linear.gather [hbm4b:s8+s2], $0x80, $0x38;
	[tilespmem:$0x3080] =	vst v63  }
0x19e: {  	s17 =	sld [smem:$0x7F7];
	s18 =	spop (v2sf);
	s16 =	sadd.s32 $0x80, s8  }
0x19f: {  	[tilespmem:s15], [sflag:$0x1] =	stream.linear.gather [hbm4b:s16+s2], $0x80, $0x38;
	[tilespmem:$0x3080] =	vst v63  }
0x1a0: {  	s19 =	sshrl.u32 s18, $0x3;
	s8 =	sadd.s32 $0x100, s8  }
0x1a1: {  	[tilespmem:s17], [sflag:$0x1] =	stream.linear.gather [hbm4b:s8+s2], $0x80, $0x38;
	[tilespmem:$0x3080] =	vst v63  }
0x1a2: {  	s9 =	sshll.u32 s18, $0x7;
	s8 =	smul.u32 $0xC00, s19  }
0x1a3: {  	s9 =	sand.u32 $0x380, s9  }
0x1a4: {  	s20 =	sld [smem:$0x7F8];
	s8 =	sor.u32 s9, s8  }
0x1a5: {  	s8 =	sshrl.u32 s8, $0x3  }
0x1a6: {  	s21 =	sld [smem:$0x7F9];
	s8 =	sadd.s32 s3, s8  }
0x1a7: {  	[tilespmem:s20], [sflag:$0x1] =	stream.linear.gather [hbm4b:s8+s2], $0x80, $0x38;
	[tilespmem:$0x3080] =	vst v63  }
0x1a8: {  	s23 =	sld [smem:$0x7FA];
	s24 =	spop (v2sf);
	s22 =	sadd.s32 $0x80, s8  }
0x1a9: {  	[tilespmem:s21], [sflag:$0x1] =	stream.linear.gather [hbm4b:s22+s2], $0x80, $0x38;
	[tilespmem:$0x3080] =	vst v63  }
0x1aa: {  	s25 =	sshrl.u32 s24, $0x3;
	s8 =	sadd.s32 $0x100, s8  }
0x1ab: {  	[tilespmem:s23], [sflag:$0x1] =	stream.linear.gather [hbm4b:s8+s2], $0x80, $0x38;
	[tilespmem:$0x3080] =	vst v63  }
0x1ac: {  	s9 =	smul.u32 $0xC00, s25;
	s8 =	sshll.u32 s24, $0x7  }
0x1ad: {  	s8 =	sand.u32 $0x380, s8  }
0x1ae: {  	s26 =	sld [smem:$0x7FB];
	s8 =	sor.u32 s8, s9  }
0x1af: {  	s8 =	sshrl.u32 s8, $0x3  }
0x1b0: {  	s28 =	sld [smem:$0x7FC];
	s8 =	sadd.s32 s3, s8  }
0x1b1: {  	[tilespmem:s26], [sflag:$0x1] =	stream.linear.gather [hbm4b:s8+s2], $0x80, $0x38;
	[tilespmem:$0x3080] =	vst v63  }
0x1b2: {  	s30 =	sld [smem:$0x7FD];
	s29 =	sadd.s32 $0x80, s8  }
0x1b3: {  	[tilespmem:s28], [sflag:$0x1] =	stream.linear.gather [hbm4b:s29+s2], $0x80, $0x38;
	[tilespmem:$0x3080] =	vst v63  }
0x1b4: {  	s8 =	sadd.s32 $0x100, s8  }
0x1b5: {  	[tilespmem:s30], [sflag:$0x1] =	stream.linear.gather [hbm4b:s8+s2], $0x80, $0x38;
	[tilespmem:$0x3080] =	vst v63  }
0x1b6: {  	_ =	swait.ge [sflag:s7], $0x180  }
0x1b7: {  	[sflag:s7] =	ssyncset.done $0x0  }
0x1b8: {  	[sflag:s7] =	ssyncadd.s32 $0xFFFFFE80  }
0x1b9: {  	_ =	swait.ge [sflag:s7], $0x180  }
0x1ba: {  	[sflag:s7] =	ssyncset.done $0x0  }
0x1bb: {  	[sflag:s7] =	ssyncadd.s32 $0xFFFFFE80  }
0x1bc: {  	_ =	swait.ge [sflag:s7], $0x180  }
0x1bd: {  	[sflag:s7] =	ssyncset.done $0x0  }
0x1be: {  	[sflag:s7] =	ssyncadd.s32 $0xFFFFFE80  }
0x1bf: {  	_ =	swait.ge [sflag:s7], $0x180  }
0x1c0: {  	[sflag:s7] =	ssyncset.done $0x0  }
0x1c1: {  	[sflag:s7] =	ssyncadd.s32 $0xFFFFFE80  }
0x1c2: {  	_ =	swait.ge [sflag:s7], $0x180  }
0x1c3: {  	[sflag:s7] =	ssyncset.done $0x0  }
0x1c4: {  	[sflag:s7] =	ssyncadd.s32 $0xFFFFFE80  }
0x1c5: {  	_ =	swait.ge [sflag:s7], $0x180  }
0x1c6: {  	[sflag:s7] =	ssyncset.done $0x0  }
0x1c7: {  	[sflag:s7] =	ssyncadd.s32 $0xFFFFFE80  }
0x1c8: {  	_ =	swait.ge [sflag:s7], $0x180  }
0x1c9: {  	[sflag:s7] =	ssyncset.done $0x0  }
0x1ca: {  	[sflag:s7] =	ssyncadd.s32 $0xFFFFFE80  }
0x1cb: {  	_ =	swait.ge [sflag:s7], $0x180  }
0x1cc: {  	[sflag:s7] =	ssyncset.done $0x0  }
0x1cd: {  	[sflag:s7] =	ssyncadd.s32 $0xFFFFFE80  }
0x1ce: {  	_ =	swait.ge [sflag:s7], $0x180  }
0x1cf: {  	[sflag:s7] =	ssyncset.done $0x0  }
0x1d0: {  	[sflag:s7] =	ssyncadd.s32 $0xFFFFFE80  }
0x1d1: {  	_ =	swait.ge [sflag:s7], $0x180  }
0x1d2: {  	[sflag:s7] =	ssyncset.done $0x0  }
0x1d3: {  	[sflag:s7] =	ssyncadd.s32 $0xFFFFFE80  }
0x1d4: {  	_ =	swait.ge [sflag:s7], $0x180  }
0x1d5: {  	[sflag:s7] =	ssyncset.done $0x0  }
0x1d6: {  	[sflag:s7] =	ssyncadd.s32 $0xFFFFFE80  }
0x1d7: {  	_ =	swait.ge [sflag:s7], $0x180  }
0x1d8: {  	[sflag:s7] =	ssyncset.done $0x0  }
0x1d9: {  	[sflag:s7] =	ssyncadd.s32 $0xFFFFFE80  }
0x1da: {  	_ =	swait.ge [sflag:s7], $0x180  }
0x1db: {  	[sflag:s7] =	ssyncset.done $0x0  }
0x1dc: {  	[sflag:s7] =	ssyncadd.s32 $0xFFFFFE80  }
0x1dd: {  	_ =	swait.ge [sflag:s7], $0x180  }
0x1de: {  	[sflag:s7] =	ssyncset.done $0x0  }
0x1df: {  	[sflag:s7] =	ssyncadd.s32 $0xFFFFFE80  }
0x1e0: {  	_ =	swait.ge [sflag:s7], $0x180  }
0x1e1: {  	[sflag:s7] =	ssyncset.done $0x0  }
0x1e2: {  	[sflag:s7] =	ssyncadd.s32 $0xFFFFFE80  }
0x1e3: {  	_ =	swait.ge [sflag:s7], $0x180  }
0x1e4: {  	[sflag:s7] =	ssyncset.done $0x0  }
0x1e5: {  	[sflag:s7] =	ssyncadd.s32 $0xFFFFFE80  }
0x1e6: {  	_ =	swait.ge [sflag:s7], $0x180  }
0x1e7: {  	[sflag:s7] =	ssyncset.done $0x0  }
0x1e8: {  	[sflag:s7] =	ssyncadd.s32 $0xFFFFFE80  }
0x1e9: {  	_ =	swait.ge [sflag:s7], $0x180  }
0x1ea: {  	[sflag:s7] =	ssyncset.done $0x0  }
0x1eb: {  	[sflag:s7] =	ssyncadd.s32 $0xFFFFFE80  }
0x1ec: {  	_ =	swait.ge [sflag:s7], $0x180  }
0x1ed: {  	[sflag:s7] =	ssyncset.done $0x0  }
0x1ee: {  	[sflag:s7] =	ssyncadd.s32 $0xFFFFFE80  }
0x1ef: {  	_ =	swait.ge [sflag:s7], $0x180  }
0x1f0: {  	[sflag:s7] =	ssyncset.done $0x0  }
0x1f1: {  	[sflag:s7] =	ssyncadd.s32 $0xFFFFFE80  }
0x1f2: {  	_ =	swait.ge [sflag:s7], $0x180  }
0x1f3: {  	[sflag:s7] =	ssyncset.done $0x0  }
0x1f4: {  	[sflag:s7] =	ssyncadd.s32 $0xFFFFFE80  }
0x1f5: {  	_ =	swait.ge [sflag:s7], $0x180  }
0x1f6: {  	[sflag:s7] =	ssyncset.done $0x0  }
0x1f7: {  	[sflag:s7] =	ssyncadd.s32 $0xFFFFFE80  }
0x1f8: {  	_ =	swait.ge [sflag:s7], $0x180  }
0x1f9: {  	[sflag:s7] =	ssyncset.done $0x0  }
0x1fa: {  	[sflag:s7] =	ssyncadd.s32 $0xFFFFFE80  }
0x1fb: {  	_ =	swait.ge [sflag:s7], $0x180  }
0x1fc: {  	[sflag:s7] =	ssyncset.done $0x0  }
0x1fd: {  	[sflag:s7] =	ssyncadd.s32 $0xFFFFFE80  }
0x1fe: {  	_ =	swait.ge [sflag:s7], $0x180  }
0x1ff: {  	[sflag:s7] =	ssyncset.done $0x0  }
0x200: {  	[sflag:s7] =	ssyncadd.s32 $0xFFFFFE80  }
0x201: {  	_ =	swait.ge [sflag:s7], $0x180  }
0x202: {  	[sflag:s7] =	ssyncset.done $0x0  }
0x203: {  	[sflag:s7] =	ssyncadd.s32 $0xFFFFFE80  }
0x204: {  	_ =	swait.ge [sflag:s7], $0x180  }
0x205: {  	[sflag:s7] =	ssyncset.done $0x0  }
0x206: {  	[sflag:s7] =	ssyncadd.s32 $0xFFFFFE80  }
0x207: {  	_ =	swait.ge [sflag:s7], $0x180  }
0x208: {  	[sflag:s7] =	ssyncset.done $0x0  }
0x209: {  	[sflag:s7] =	ssyncadd.s32 $0xFFFFFE80  }
0x20a: {  	_ =	swait.ge [sflag:s7], $0x180  }
0x20b: {  	[sflag:s7] =	ssyncset.done $0x0  }
0x20c: {  	[sflag:s7] =	ssyncadd.s32 $0xFFFFFE80  }
0x20d: {  	_ =	swait.ge [sflag:s7], $0x180  }
0x20e: {  	[sflag:s7] =	ssyncset.done $0x0  }
0x20f: {  	[sflag:s7] =	ssyncadd.s32 $0xFFFFFE80  }
0x210: {  	_ =	swait.ge [sflag:s7], $0x180  }
0x211: {  	[sflag:s7] =	ssyncset.done $0x0  }
0x212: {  	[sflag:s7] =	ssyncadd.s32 $0xFFFFFE80  }
0x213: {  	_ =	swait.ge [sflag:s7], $0x180  }
0x214: {  	p0 =	sne.s32 s4, $0x1;
	[sflag:s7] =	ssyncset.done $0x0  }
.Ltmp0:
0x215: {  	s31 =	rddreg [dreg:$0x3];
	[sflag:s7] =	ssyncadd.s32 $0xFFFFFE80;
	(pc) =	sbr.rel @p0 .LBB2_1-.Ltmp0, $4  }
0x216: {  	[hbm4b:s31+s2] =	stream.linear.scatter [tilespmem:s6], [sflag:$0x2], $0x3000, $0x38;
	[tilespmem:$0x3080] =	vst v63  }
0x217: {  	_ =	swait.ge [sflag:s5], $0x3000  }
0x218: {  	[sflag:s5] =	ssyncset.done $0x0  }
0x219: {  	s4 =	sadd.s32 $0xFFFFFFFF, s4;
	[sflag:s5] =	ssyncadd.s32 $0xFFFFD000  }
0x21a: {  	_ =	sfence.sel $0x180000  }
0x21b: {  	[bflag:$0x0] =	sbarrier.arrive $0xFFFF  }
0x21c: {  	p0 =	sne.s32 s0, $0x0;
	_ =	strace $0x90000047  }
0x21d: {  	s0 =	sadd.s32 @!p0 $0x100000, s1;
	[bflag:$0x2] =	sbarrier.arrive $0xFFFF  }
0x21e: {  	[sflag:s0] =	ssyncadd.tile.s32 @!p0 $0x1;
	_ =	shalt  }
.Lfunc_end2:
_tile_overlayer_lowered:
.L_overlay_start_2:
0x21f: {  	(tag) =	ssettag $0x2  }
0x220: {  	s0 =	rddreg [dreg:$0x0];
	s2 =	stileid.u32  }
0x221: {  	s1 =	rddreg [dreg:$0x1];
	p0 =	sne.s32 s2, $0x0  }
0x222: {  	s3 =	rddreg [dreg:$0x2];
	[bflag:$0x3] =	sbarrier.arrive $0xFFFF;
	s2 =	simm.s32 @!p0 $0x1C02  }
0x223: {  	[timem:s3], [sflag:s2] =	dma.local @!p0 [hbm:s0], s1  }
0x224: {  	s0 =	simm.s32 @!p0 $0x2  }
0x225: {  	_ =	swait.ge @!p0 [sflag:s0], s1  }
0x226: {  	s1 =	ssub.s32 @!p0 $0x0, s1;
	[sflag:s0] =	ssyncset.done @!p0 $0x0  }
0x227: {  	[sflag:s0] =	ssyncadd.s32 @!p0 s1  }
0x228: {  	[bflag:$0x3] =	sbarrier.arrive $0xFFFF  }
0x229: {  	_ =	shalt  }

</sc_bundles>
